<compile_context>
chip_gen: v7x
topology: tpu7x:2x2x1
jax: 0.10.2.dev20260603
libtpu: 0.0.44.dev20260713+nightly
codegen_flags: <defaults>
</compile_context>

<pallas_src>
import functools

import jax
import jax.numpy as jnp
import numpy as np
from jax import lax
from jax.experimental import pallas as pl
from jax.experimental.pallas import tpu as pltpu
from jax.experimental.pallas import tpu_sc as plsc

N_FIELDS = 26
FIELD_SIZE = 100000
N_NUM = 13
D = 32
BATCH = 16384

NC, NS, L = 2, 16, 16
NW = NC * NS
ROWS_W = BATCH // NW
RB = 64
NBLK = ROWS_W // RB
CAT_BLK = RB * N_FIELDS
NUM_BLK = RB * N_NUM
PAT = L * N_FIELDS // 2


def _body(xc_hbm, xn_hbm, tab_hbm, w_hbm, b_hbm, pat_hbm, out_hbm,
          raw_v, cat_v, num_v, xn_v, w_v, b_v, pat_v, gsem, osem):
    wid = lax.axis_index("s") * NC + lax.axis_index("c")
    pltpu.sync_copy(w_hbm, w_v)
    pltpu.sync_copy(b_hbm, b_v)
    pltpu.sync_copy(pat_hbm, pat_v)

    def block(b, carry):
        base_row = wid * ROWS_W + b * RB
        pltpu.sync_copy(xc_hbm.at[pl.ds(base_row * N_FIELDS, CAT_BLK)], raw_v)
        pltpu.sync_copy(xn_hbm.at[pl.ds(base_row * N_NUM, NUM_BLK)], xn_v)

        def gath(i, c):
            idx = (raw_v[pl.ds(i * L, L)]
                   + pat_v[pl.ds(lax.rem(i, N_NUM) * L, L)])
            pltpu.async_copy(tab_hbm.at[idx], cat_v.at[pl.ds(i * L, L)], gsem)
            return c

        lax.fori_loop(0, CAT_BLK // L, gath, 0)

        def numr(r, c):
            for n in range(N_NUM):
                p = r * N_NUM + n
                xvec = plsc.load_gather(
                    xn_v, [jnp.zeros((L,), jnp.int32) + p])
                for h in range(2):
                    seg = pl.ds(n * D + h * L, L)
                    num_v[p, pl.ds(h * L, L)] = xvec * w_v[seg] + b_v[seg]
            return c

        lax.fori_loop(0, RB, numr, 0)

        pltpu.make_async_copy(tab_hbm.at[pl.ds(0, CAT_BLK)], cat_v, gsem).wait()

        def wr(r, c):
            row = base_row + r
            pltpu.async_copy(cat_v.at[pl.ds(r * N_FIELDS, N_FIELDS)],
                             out_hbm.at[row, pl.ds(0, N_FIELDS)], osem)
            pltpu.async_copy(num_v.at[pl.ds(r * N_NUM, N_NUM)],
                             out_hbm.at[row, pl.ds(N_FIELDS, N_NUM)], osem)
            return c

        lax.fori_loop(0, RB, wr, 0)
        pltpu.make_async_copy(tab_hbm.at[pl.ds(0, CAT_BLK)], cat_v, osem).wait()
        pltpu.make_async_copy(tab_hbm.at[pl.ds(0, NUM_BLK)], num_v, osem).wait()
        return carry

    lax.fori_loop(0, NBLK, block, 0)


@functools.partial(jax.jit)
def kernel(x_categ, x_numer, table, num_weights, num_biases):
    xc = x_categ.astype(jnp.int32).reshape(-1)
    xn = x_numer.reshape(-1)
    wf = num_weights.reshape(-1)
    bf = num_biases.reshape(-1)
    pat = jnp.asarray(
        (np.arange(PAT) % N_FIELDS).astype(np.int32) * FIELD_SIZE)

    run = pl.kernel(
        _body,
        out_type=jax.ShapeDtypeStruct((BATCH, N_FIELDS + N_NUM, D),
                                      jnp.float32),
        mesh=plsc.VectorSubcoreMesh(core_axis_name="c", subcore_axis_name="s"),
        compiler_params=pltpu.CompilerParams(use_tc_tiling_on_sc=False,
                                            needs_layout_passes=False),
        scratch_types=[
            pltpu.VMEM((CAT_BLK,), jnp.int32),
            pltpu.VMEM((CAT_BLK, D), jnp.float32),
            pltpu.VMEM((NUM_BLK, D), jnp.float32),
            pltpu.VMEM((NUM_BLK,), jnp.float32),
            pltpu.VMEM((N_NUM * D,), jnp.float32),
            pltpu.VMEM((N_NUM * D,), jnp.float32),
            pltpu.VMEM((PAT,), jnp.int32),
            pltpu.SemaphoreType.DMA,
            pltpu.SemaphoreType.DMA,
        ],
    )
    return run(xc, xn, table, wf, bf, pat)

# --- scband reference (transcript-rebuilt; emitter-appended) ---
"""Pipeline reference for scband-embedder-16896401343272 (READ-ONLY COPY).

The authoritative reference and input builder live on the scoring server;
editing this copy changes nothing except your own understanding.
"""

import jax, jax.numpy as jnp
import numpy as np

N_FIELDS = 26
FIELD_SIZE = 100000
N_UNI = N_FIELDS * FIELD_SIZE
N_NUM = 13
D_MODEL = 32
BATCH = 16384

def setup_inputs(seed: int = 0) -> dict:
    key = jax.random.key(seed)
    k1, k2, k3, k4, k5 = jax.random.split(key, 5)
    x_categ = jax.random.randint(k1, (BATCH, N_FIELDS), 0, FIELD_SIZE, dtype=jnp.int64 if jax.config.jax_enable_x64 else jnp.int32)
    x_numer = jax.random.normal(k2, (BATCH, N_NUM), dtype=jnp.float32)
    table = jax.random.normal(k3, (N_UNI, D_MODEL), dtype=jnp.float32)
    num_weights = jax.random.normal(k4, (N_NUM, D_MODEL), dtype=jnp.float32)
    num_biases = jax.random.normal(k5, (N_NUM, D_MODEL), dtype=jnp.float32)
    return {"x_categ": x_categ, "x_numer": x_numer, "table": table, "num_weights": num_weights, "num_biases": num_biases}

def reference(x_categ, x_numer, table, num_weights, num_biases):
    # categorical_offset = cumsum of field sizes with 0 prepended, drop last
    sizes = jnp.full((N_FIELDS,), FIELD_SIZE, dtype=x_categ.dtype)
    offsets = jnp.concatenate([jnp.zeros((1,), dtype=x_categ.dtype), jnp.cumsum(sizes)[:-1]])
    idx = x_categ + offsets[None, :]
    cat_emb = jnp.take(table, idx, axis=0)  # [B, 26, D]
    num_emb = x_numer[..., None] * num_weights[None, :, :] + num_biases[None, :, :]  # [B, 13, D]
    return jnp.concatenate([cat_emb, num_emb], axis=1)  # [B, 39, D]

if __name__ == "__main__":
    import jax
    _d = setup_inputs()
    print(jax.jit(kernel)(*tuple(_d.values())))

</pallas_src>

<mosaic_0001>
#map = affine_map<(d0, d1) -> (0)>
#map1 = affine_map<(d0, d1) -> (0, 0)>
#map2 = affine_map<(d0, d1) -> (0, 0, 0)>
module attributes {stable_mosaic.version = 14 : i64} {
  func.func @_body(%arg0: i32, %arg1: i32, %arg2: memref<425984xi32, #tpu.memory_space<hbm>>, %arg3: memref<212992xf32, #tpu.memory_space<hbm>>, %arg4: memref<2600000x32xf32, #tpu.memory_space<hbm>>, %arg5: memref<416xf32, #tpu.memory_space<hbm>>, %arg6: memref<416xf32, #tpu.memory_space<hbm>>, %arg7: memref<208xi32, #tpu.memory_space<hbm>>, %arg8: memref<16384x39x32xf32, #tpu.memory_space<hbm>>, %arg9: memref<1664xi32, #tpu.memory_space<vmem>>, %arg10: memref<1664x32xf32, #tpu.memory_space<vmem>>, %arg11: memref<832x32xf32, #tpu.memory_space<vmem>>, %arg12: memref<832xf32, #tpu.memory_space<vmem>>, %arg13: memref<416xf32, #tpu.memory_space<vmem>>, %arg14: memref<416xf32, #tpu.memory_space<vmem>>, %arg15: memref<208xi32, #tpu.memory_space<vmem>>, %arg16: memref<!tpu.dma_semaphore, #tpu.memory_space<semaphore_mem>>, %arg17: memref<!tpu.dma_semaphore, #tpu.memory_space<semaphore_mem>>) attributes {dimension_semantics = [#tpu.dimension_semantics<core_parallel>, #tpu.dimension_semantics<subcore_parallel>], iteration_bounds = array<i64: 2, 16>, scalar_prefetch = 0 : i64, scratch_operands = 9 : i64, tpu.core_type = #tpu.core_type<sc_vector_subcore>, window_params = [{transform_indices = #map}, {transform_indices = #map}, {transform_indices = #map1}, {transform_indices = #map}, {transform_indices = #map}, {transform_indices = #map}, {transform_indices = #map2}]} {
    %mul3A = arith.constant 2 : i32
    %mul3A_0 = arith.muli %arg1, %mul3A : i32
    %add3A = arith.addi %mul3A_0, %arg0 : i32
    "tpu.region"() ({
      %run_scoped3A = tpu.sem_alloc : memref<!tpu.dma_semaphore, #tpu.memory_space<semaphore_mem>>
      tpu.enqueue_dma source(%arg5 : memref<416xf32, #tpu.memory_space<hbm>>) target(%arg13 : memref<416xf32, #tpu.memory_space<vmem>>) target_semaphore(%run_scoped3A : memref<!tpu.dma_semaphore, #tpu.memory_space<semaphore_mem>>)
      tpu.wait_dma2 semaphore(%run_scoped3A : memref<!tpu.dma_semaphore, #tpu.memory_space<semaphore_mem>>) src(%arg5 : memref<416xf32, #tpu.memory_space<hbm>>) dst(%arg13 : memref<416xf32, #tpu.memory_space<vmem>>)
      tpu.yield
    }) : () -> ()
    "tpu.region"() ({
      %run_scoped3A = tpu.sem_alloc : memref<!tpu.dma_semaphore, #tpu.memory_space<semaphore_mem>>
      tpu.enqueue_dma source(%arg6 : memref<416xf32, #tpu.memory_space<hbm>>) target(%arg14 : memref<416xf32, #tpu.memory_space<vmem>>) target_semaphore(%run_scoped3A : memref<!tpu.dma_semaphore, #tpu.memory_space<semaphore_mem>>)
      tpu.wait_dma2 semaphore(%run_scoped3A : memref<!tpu.dma_semaphore, #tpu.memory_space<semaphore_mem>>) src(%arg6 : memref<416xf32, #tpu.memory_space<hbm>>) dst(%arg14 : memref<416xf32, #tpu.memory_space<vmem>>)
      tpu.yield
    }) : () -> ()
    "tpu.region"() ({
      %run_scoped3A = tpu.sem_alloc : memref<!tpu.dma_semaphore, #tpu.memory_space<semaphore_mem>>
      tpu.enqueue_dma source(%arg7 : memref<208xi32, #tpu.memory_space<hbm>>) target(%arg15 : memref<208xi32, #tpu.memory_space<vmem>>) target_semaphore(%run_scoped3A : memref<!tpu.dma_semaphore, #tpu.memory_space<semaphore_mem>>)
      tpu.wait_dma2 semaphore(%run_scoped3A : memref<!tpu.dma_semaphore, #tpu.memory_space<semaphore_mem>>) src(%arg7 : memref<208xi32, #tpu.memory_space<hbm>>) dst(%arg15 : memref<208xi32, #tpu.memory_space<vmem>>)
      tpu.yield
    }) : () -> ()
    %scan3A = arith.constant 0 : i32
    %scan3A_1 = arith.constant 0 : i32
    %scan3A_2 = arith.constant 8 : i32
    %scan3A_3 = arith.addi %scan3A_1, %scan3A_2 : i32
    %scan3A_4 = arith.constant 1 : i32
    scf.for %scan3A_6 = %scan3A_1 to %scan3A_3 step %scan3A_4  : i32 {
      %mul3A_7 = arith.constant 512 : i32
      %mul3A_8 = arith.muli %add3A, %mul3A_7 : i32
      %mul3A_9 = arith.constant 64 : i32
      %mul3A_10 = arith.muli %scan3A_6, %mul3A_9 : i32
      %add3A_11 = arith.addi %mul3A_8, %mul3A_10 : i32
      %mul3A_12 = arith.constant 26 : i32
      %mul3A_13 = arith.muli %add3A_11, %mul3A_12 : i32
      "tpu.region"() ({
        %run_scoped3A = tpu.sem_alloc : memref<!tpu.dma_semaphore, #tpu.memory_space<semaphore_mem>>
        %dma_start3A = tpu.memref_slice %arg2[%mul3A_13] : memref<425984xi32, #tpu.memory_space<hbm>> -> memref<1664xi32, #tpu.memory_space<hbm>>
        %dma_start3A_51 = tpu.memref_slice %arg2[%mul3A_13] : memref<425984xi32, #tpu.memory_space<hbm>> -> memref<1664xi32, #tpu.memory_space<hbm>>
        tpu.enqueue_dma source(%dma_start3A_51 : memref<1664xi32, #tpu.memory_space<hbm>>) target(%arg9 : memref<1664xi32, #tpu.memory_space<vmem>>) target_semaphore(%run_scoped3A : memref<!tpu.dma_semaphore, #tpu.memory_space<semaphore_mem>>)
        %dma_wait3A_52 = tpu.memref_slice %arg2[%mul3A_13] : memref<425984xi32, #tpu.memory_space<hbm>> -> memref<1664xi32, #tpu.memory_space<hbm>>
        %dma_wait3A_53 = tpu.memref_slice %arg2[%mul3A_13] : memref<425984xi32, #tpu.memory_space<hbm>> -> memref<1664xi32, #tpu.memory_space<hbm>>
        tpu.wait_dma2 semaphore(%run_scoped3A : memref<!tpu.dma_semaphore, #tpu.memory_space<semaphore_mem>>) src(%dma_wait3A_53 : memref<1664xi32, #tpu.memory_space<hbm>>) dst(%arg9 : memref<1664xi32, #tpu.memory_space<vmem>>)
        tpu.yield
      }) : () -> ()
      %mul3A_14 = arith.constant 13 : i32
      %mul3A_15 = arith.muli %add3A_11, %mul3A_14 : i32
      "tpu.region"() ({
        %run_scoped3A = tpu.sem_alloc : memref<!tpu.dma_semaphore, #tpu.memory_space<semaphore_mem>>
        %dma_start3A = tpu.memref_slice %arg3[%mul3A_15] : memref<212992xf32, #tpu.memory_space<hbm>> -> memref<832xf32, #tpu.memory_space<hbm>>
        %dma_start3A_51 = tpu.memref_slice %arg3[%mul3A_15] : memref<212992xf32, #tpu.memory_space<hbm>> -> memref<832xf32, #tpu.memory_space<hbm>>
        tpu.enqueue_dma source(%dma_start3A_51 : memref<832xf32, #tpu.memory_space<hbm>>) target(%arg12 : memref<832xf32, #tpu.memory_space<vmem>>) target_semaphore(%run_scoped3A : memref<!tpu.dma_semaphore, #tpu.memory_space<semaphore_mem>>)
        %dma_wait3A_52 = tpu.memref_slice %arg3[%mul3A_15] : memref<212992xf32, #tpu.memory_space<hbm>> -> memref<832xf32, #tpu.memory_space<hbm>>
        %dma_wait3A_53 = tpu.memref_slice %arg3[%mul3A_15] : memref<212992xf32, #tpu.memory_space<hbm>> -> memref<832xf32, #tpu.memory_space<hbm>>
        tpu.wait_dma2 semaphore(%run_scoped3A : memref<!tpu.dma_semaphore, #tpu.memory_space<semaphore_mem>>) src(%dma_wait3A_53 : memref<832xf32, #tpu.memory_space<hbm>>) dst(%arg12 : memref<832xf32, #tpu.memory_space<vmem>>)
        tpu.yield
      }) : () -> ()
      %scan3A_16 = arith.constant 0 : i32
      %scan3A_17 = arith.constant 0 : i32
      %scan3A_18 = arith.constant 104 : i32
      %scan3A_19 = arith.addi %scan3A_17, %scan3A_18 : i32
      %scan3A_20 = arith.constant 1 : i32
      scf.for %scan3A_51 = %scan3A_17 to %scan3A_19 step %scan3A_20  : i32 {
        %mul3A_52 = arith.constant 16 : i32
        %mul3A_53 = arith.muli %scan3A_51, %mul3A_52 : i32
        %get3A = arith.index_cast %mul3A_53 : i32 to index
        %get3A_54 = tpu.vector_load %arg9[%get3A] {strides = array<i32>} : memref<1664xi32, #tpu.memory_space<vmem>>, vector<16xi32>,
        %rem3A = arith.constant 13 : i32
        %rem3A_55 = arith.remsi %scan3A_51, %rem3A : i32
        %mul3A_56 = arith.constant 16 : i32
        %mul3A_57 = arith.muli %rem3A_55, %mul3A_56 : i32
        %get3A_58 = arith.index_cast %mul3A_57 : i32 to index
        %get3A_59 = tpu.vector_load %arg15[%get3A_58] {strides = array<i32>} : memref<208xi32, #tpu.memory_space<vmem>>, vector<16xi32>,
        %add3A_60 = arith.addi %get3A_54, %get3A_59 : vector<16xi32>
        %mul3A_61 = arith.constant 16 : i32
        %mul3A_62 = arith.muli %scan3A_51, %mul3A_61 : i32
        %dma_start3A = arith.constant 0 : i32
        %dma_start3A_63 = tpu.memref_slice %arg10[%mul3A_62, %dma_start3A] : memref<1664x32xf32, #tpu.memory_space<vmem>> -> memref<16x32xf32, #tpu.memory_space<vmem>>
        %dma_start3A_64 = arith.constant 0 : i32
        %dma_start3A_65 = arith.constant 0 : i32
        %dma_start3A_66 = tpu.memref_slice %arg4[%dma_start3A_64, %dma_start3A_65] : memref<2600000x32xf32, #tpu.memory_space<hbm>> -> memref<2600000x32xf32, #tpu.memory_space<hbm>>
        tpu.enqueue_indirect_dma source(%dma_start3A_66 : memref<2600000x32xf32, #tpu.memory_space<hbm>>) target(%dma_start3A_63 : memref<16x32xf32, #tpu.memory_space<vmem>>) offsets(%add3A_60 : vector<16xi32>) semaphore(%arg16 : memref<!tpu.dma_semaphore, #tpu.memory_space<semaphore_mem>>)
      }
      %scan3A_21 = arith.constant 104 : i32
      %scan3A_22 = arith.constant 0 : i32
      %scan3A_23 = arith.constant 0 : i32
      %scan3A_24 = arith.constant 64 : i32
      %scan3A_25 = arith.addi %scan3A_23, %scan3A_24 : i32
      %scan3A_26 = arith.constant 1 : i32
      scf.for %scan3A_51 = %scan3A_23 to %scan3A_25 step %scan3A_26  : i32 {
        %mul3A_52 = arith.constant 13 : i32
        %mul3A_53 = arith.muli %scan3A_51, %mul3A_52 : i32
        %add3A_54 = arith.constant 0 : i32
        %add3A_55 = arith.addi %mul3A_53, %add3A_54 : i32
        %broadcast_in_dim3A = arith.constant 0 : i32
        %broadcast_in_dim3A_56 = vector.broadcast %broadcast_in_dim3A : i32 to vector<16xi32>
        %add3A_57 = vector.broadcast %add3A_55 : i32 to vector<16xi32>
        %add3A_58 = arith.addi %broadcast_in_dim3A_56, %add3A_57 : vector<16xi32>
        %gather3A = tpu.vector_load_idx %arg12[%add3A_58] : memref<832xf32, #tpu.memory_space<vmem>>[vector<16xi32>], vector<16xf32>,
        %get3A = arith.constant 0 : index
        %get3A_59 = tpu.vector_load %arg13[%get3A] {strides = array<i32>} : memref<416xf32, #tpu.memory_space<vmem>>, vector<16xf32>,
        %mul3A_60 = arith.mulf %gather3A, %get3A_59 : vector<16xf32>
        %get3A_61 = arith.constant 0 : index
        %get3A_62 = tpu.vector_load %arg14[%get3A_61] {strides = array<i32>} : memref<416xf32, #tpu.memory_space<vmem>>, vector<16xf32>,
        %add3A_63 = arith.addf %mul3A_60, %get3A_62 : vector<16xf32>
        %swap3A = arith.index_cast %add3A_55 : i32 to index
        %swap3A_64 = arith.constant 0 : index
        %swap3A_65 = tpu.vector_load %arg11[%swap3A, %swap3A_64] {strides = array<i32>} : memref<832x32xf32, #tpu.memory_space<vmem>>, vector<16xf32>,
        tpu.vector_store %arg11[%swap3A, %swap3A_64], %add3A_63 {strides = array<i32>} : memref<832x32xf32, #tpu.memory_space<vmem>>, vector<16xf32>,
        %get3A_66 = arith.constant 16 : index
        %get3A_67 = tpu.vector_load %arg13[%get3A_66] {strides = array<i32>} : memref<416xf32, #tpu.memory_space<vmem>>, vector<16xf32>,
        %mul3A_68 = arith.mulf %gather3A, %get3A_67 : vector<16xf32>
        %get3A_69 = arith.constant 16 : index
        %get3A_70 = tpu.vector_load %arg14[%get3A_69] {strides = array<i32>} : memref<416xf32, #tpu.memory_space<vmem>>, vector<16xf32>,
        %add3A_71 = arith.addf %mul3A_68, %get3A_70 : vector<16xf32>
        %swap3A_72 = arith.index_cast %add3A_55 : i32 to index
        %swap3A_73 = arith.constant 16 : index
        %swap3A_74 = tpu.vector_load %arg11[%swap3A_72, %swap3A_73] {strides = array<i32>} : memref<832x32xf32, #tpu.memory_space<vmem>>, vector<16xf32>,
        tpu.vector_store %arg11[%swap3A_72, %swap3A_73], %add3A_71 {strides = array<i32>} : memref<832x32xf32, #tpu.memory_space<vmem>>, vector<16xf32>,
        %mul3A_75 = arith.constant 13 : i32
        %mul3A_76 = arith.muli %scan3A_51, %mul3A_75 : i32
        %add3A_77 = arith.constant 1 : i32
        %add3A_78 = arith.addi %mul3A_76, %add3A_77 : i32
        %broadcast_in_dim3A_79 = arith.constant 0 : i32
        %broadcast_in_dim3A_80 = vector.broadcast %broadcast_in_dim3A_79 : i32 to vector<16xi32>
        %add3A_81 = vector.broadcast %add3A_78 : i32 to vector<16xi32>
        %add3A_82 = arith.addi %broadcast_in_dim3A_80, %add3A_81 : vector<16xi32>
        %gather3A_83 = tpu.vector_load_idx %arg12[%add3A_82] : memref<832xf32, #tpu.memory_space<vmem>>[vector<16xi32>], vector<16xf32>,
        %get3A_84 = arith.constant 32 : index
        %get3A_85 = tpu.vector_load %arg13[%get3A_84] {strides = array<i32>} : memref<416xf32, #tpu.memory_space<vmem>>, vector<16xf32>,
        %mul3A_86 = arith.mulf %gather3A_83, %get3A_85 : vector<16xf32>
        %get3A_87 = arith.constant 32 : index
        %get3A_88 = tpu.vector_load %arg14[%get3A_87] {strides = array<i32>} : memref<416xf32, #tpu.memory_space<vmem>>, vector<16xf32>,
        %add3A_89 = arith.addf %mul3A_86, %get3A_88 : vector<16xf32>
        %swap3A_90 = arith.index_cast %add3A_78 : i32 to index
        %swap3A_91 = arith.constant 0 : index
        %swap3A_92 = tpu.vector_load %arg11[%swap3A_90, %swap3A_91] {strides = array<i32>} : memref<832x32xf32, #tpu.memory_space<vmem>>, vector<16xf32>,
        tpu.vector_store %arg11[%swap3A_90, %swap3A_91], %add3A_89 {strides = array<i32>} : memref<832x32xf32, #tpu.memory_space<vmem>>, vector<16xf32>,
        %get3A_93 = arith.constant 48 : index
        %get3A_94 = tpu.vector_load %arg13[%get3A_93] {strides = array<i32>} : memref<416xf32, #tpu.memory_space<vmem>>, vector<16xf32>,
        %mul3A_95 = arith.mulf %gather3A_83, %get3A_94 : vector<16xf32>
        %get3A_96 = arith.constant 48 : index
        %get3A_97 = tpu.vector_load %arg14[%get3A_96] {strides = array<i32>} : memref<416xf32, #tpu.memory_space<vmem>>, vector<16xf32>,
        %add3A_98 = arith.addf %mul3A_95, %get3A_97 : vector<16xf32>
        %swap3A_99 = arith.index_cast %add3A_78 : i32 to index
        %swap3A_100 = arith.constant 16 : index
        %swap3A_101 = tpu.vector_load %arg11[%swap3A_99, %swap3A_100] {strides = array<i32>} : memref<832x32xf32, #tpu.memory_space<vmem>>, vector<16xf32>,
        tpu.vector_store %arg11[%swap3A_99, %swap3A_100], %add3A_98 {strides = array<i32>} : memref<832x32xf32, #tpu.memory_space<vmem>>, vector<16xf32>,
        %mul3A_102 = arith.constant 13 : i32
        %mul3A_103 = arith.muli %scan3A_51, %mul3A_102 : i32
        %add3A_104 = arith.constant 2 : i32
        %add3A_105 = arith.addi %mul3A_103, %add3A_104 : i32
        %broadcast_in_dim3A_106 = arith.constant 0 : i32
        %broadcast_in_dim3A_107 = vector.broadcast %broadcast_in_dim3A_106 : i32 to vector<16xi32>
        %add3A_108 = vector.broadcast %add3A_105 : i32 to vector<16xi32>
        %add3A_109 = arith.addi %broadcast_in_dim3A_107, %add3A_108 : vector<16xi32>
        %gather3A_110 = tpu.vector_load_idx %arg12[%add3A_109] : memref<832xf32, #tpu.memory_space<vmem>>[vector<16xi32>], vector<16xf32>,
        %get3A_111 = arith.constant 64 : index
        %get3A_112 = tpu.vector_load %arg13[%get3A_111] {strides = array<i32>} : memref<416xf32, #tpu.memory_space<vmem>>, vector<16xf32>,
        %mul3A_113 = arith.mulf %gather3A_110, %get3A_112 : vector<16xf32>
        %get3A_114 = arith.constant 64 : index
        %get3A_115 = tpu.vector_load %arg14[%get3A_114] {strides = array<i32>} : memref<416xf32, #tpu.memory_space<vmem>>, vector<16xf32>,
        %add3A_116 = arith.addf %mul3A_113, %get3A_115 : vector<16xf32>
        %swap3A_117 = arith.index_cast %add3A_105 : i32 to index
        %swap3A_118 = arith.constant 0 : index
        %swap3A_119 = tpu.vector_load %arg11[%swap3A_117, %swap3A_118] {strides = array<i32>} : memref<832x32xf32, #tpu.memory_space<vmem>>, vector<16xf32>,
        tpu.vector_store %arg11[%swap3A_117, %swap3A_118], %add3A_116 {strides = array<i32>} : memref<832x32xf32, #tpu.memory_space<vmem>>, vector<16xf32>,
        %get3A_120 = arith.constant 80 : index
        %get3A_121 = tpu.vector_load %arg13[%get3A_120] {strides = array<i32>} : memref<416xf32, #tpu.memory_space<vmem>>, vector<16xf32>,
        %mul3A_122 = arith.mulf %gather3A_110, %get3A_121 : vector<16xf32>
        %get3A_123 = arith.constant 80 : index
        %get3A_124 = tpu.vector_load %arg14[%get3A_123] {strides = array<i32>} : memref<416xf32, #tpu.memory_space<vmem>>, vector<16xf32>,
        %add3A_125 = arith.addf %mul3A_122, %get3A_124 : vector<16xf32>
        %swap3A_126 = arith.index_cast %add3A_105 : i32 to index
        %swap3A_127 = arith.constant 16 : index
        %swap3A_128 = tpu.vector_load %arg11[%swap3A_126, %swap3A_127] {strides = array<i32>} : memref<832x32xf32, #tpu.memory_space<vmem>>, vector<16xf32>,
        tpu.vector_store %arg11[%swap3A_126, %swap3A_127], %add3A_125 {strides = array<i32>} : memref<832x32xf32, #tpu.memory_space<vmem>>, vector<16xf32>,
        %mul3A_129 = arith.constant 13 : i32
        %mul3A_130 = arith.muli %scan3A_51, %mul3A_129 : i32
        %add3A_131 = arith.constant 3 : i32
        %add3A_132 = arith.addi %mul3A_130, %add3A_131 : i32
        %broadcast_in_dim3A_133 = arith.constant 0 : i32
        %broadcast_in_dim3A_134 = vector.broadcast %broadcast_in_dim3A_133 : i32 to vector<16xi32>
        %add3A_135 = vector.broadcast %add3A_132 : i32 to vector<16xi32>
        %add3A_136 = arith.addi %broadcast_in_dim3A_134, %add3A_135 : vector<16xi32>
        %gather3A_137 = tpu.vector_load_idx %arg12[%add3A_136] : memref<832xf32, #tpu.memory_space<vmem>>[vector<16xi32>], vector<16xf32>,
        %get3A_138 = arith.constant 96 : index
        %get3A_139 = tpu.vector_load %arg13[%get3A_138] {strides = array<i32>} : memref<416xf32, #tpu.memory_space<vmem>>, vector<16xf32>,
        %mul3A_140 = arith.mulf %gather3A_137, %get3A_139 : vector<16xf32>
        %get3A_141 = arith.constant 96 : index
        %get3A_142 = tpu.vector_load %arg14[%get3A_141] {strides = array<i32>} : memref<416xf32, #tpu.memory_space<vmem>>, vector<16xf32>,
        %add3A_143 = arith.addf %mul3A_140, %get3A_142 : vector<16xf32>
        %swap3A_144 = arith.index_cast %add3A_132 : i32 to index
        %swap3A_145 = arith.constant 0 : index
        %swap3A_146 = tpu.vector_load %arg11[%swap3A_144, %swap3A_145] {strides = array<i32>} : memref<832x32xf32, #tpu.memory_space<vmem>>, vector<16xf32>,
        tpu.vector_store %arg11[%swap3A_144, %swap3A_145], %add3A_143 {strides = array<i32>} : memref<832x32xf32, #tpu.memory_space<vmem>>, vector<16xf32>,
        %get3A_147 = arith.constant 112 : index
        %get3A_148 = tpu.vector_load %arg13[%get3A_147] {strides = array<i32>} : memref<416xf32, #tpu.memory_space<vmem>>, vector<16xf32>,
        %mul3A_149 = arith.mulf %gather3A_137, %get3A_148 : vector<16xf32>
        %get3A_150 = arith.constant 112 : index
        %get3A_151 = tpu.vector_load %arg14[%get3A_150] {strides = array<i32>} : memref<416xf32, #tpu.memory_space<vmem>>, vector<16xf32>,
        %add3A_152 = arith.addf %mul3A_149, %get3A_151 : vector<16xf32>
        %swap3A_153 = arith.index_cast %add3A_132 : i32 to index
        %swap3A_154 = arith.constant 16 : index
        %swap3A_155 = tpu.vector_load %arg11[%swap3A_153, %swap3A_154] {strides = array<i32>} : memref<832x32xf32, #tpu.memory_space<vmem>>, vector<16xf32>,
        tpu.vector_store %arg11[%swap3A_153, %swap3A_154], %add3A_152 {strides = array<i32>} : memref<832x32xf32, #tpu.memory_space<vmem>>, vector<16xf32>,
        %mul3A_156 = arith.constant 13 : i32
        %mul3A_157 = arith.muli %scan3A_51, %mul3A_156 : i32
        %add3A_158 = arith.constant 4 : i32
        %add3A_159 = arith.addi %mul3A_157, %add3A_158 : i32
        %broadcast_in_dim3A_160 = arith.constant 0 : i32
        %broadcast_in_dim3A_161 = vector.broadcast %broadcast_in_dim3A_160 : i32 to vector<16xi32>
        %add3A_162 = vector.broadcast %add3A_159 : i32 to vector<16xi32>
        %add3A_163 = arith.addi %broadcast_in_dim3A_161, %add3A_162 : vector<16xi32>
        %gather3A_164 = tpu.vector_load_idx %arg12[%add3A_163] : memref<832xf32, #tpu.memory_space<vmem>>[vector<16xi32>], vector<16xf32>,
        %get3A_165 = arith.constant 128 : index
        %get3A_166 = tpu.vector_load %arg13[%get3A_165] {strides = array<i32>} : memref<416xf32, #tpu.memory_space<vmem>>, vector<16xf32>,
        %mul3A_167 = arith.mulf %gather3A_164, %get3A_166 : vector<16xf32>
        %get3A_168 = arith.constant 128 : index
        %get3A_169 = tpu.vector_load %arg14[%get3A_168] {strides = array<i32>} : memref<416xf32, #tpu.memory_space<vmem>>, vector<16xf32>,
        %add3A_170 = arith.addf %mul3A_167, %get3A_169 : vector<16xf32>
        %swap3A_171 = arith.index_cast %add3A_159 : i32 to index
        %swap3A_172 = arith.constant 0 : index
        %swap3A_173 = tpu.vector_load %arg11[%swap3A_171, %swap3A_172] {strides = array<i32>} : memref<832x32xf32, #tpu.memory_space<vmem>>, vector<16xf32>,
        tpu.vector_store %arg11[%swap3A_171, %swap3A_172], %add3A_170 {strides = array<i32>} : memref<832x32xf32, #tpu.memory_space<vmem>>, vector<16xf32>,
        %get3A_174 = arith.constant 144 : index
        %get3A_175 = tpu.vector_load %arg13[%get3A_174] {strides = array<i32>} : memref<416xf32, #tpu.memory_space<vmem>>, vector<16xf32>,
        %mul3A_176 = arith.mulf %gather3A_164, %get3A_175 : vector<16xf32>
        %get3A_177 = arith.constant 144 : index
        %get3A_178 = tpu.vector_load %arg14[%get3A_177] {strides = array<i32>} : memref<416xf32, #tpu.memory_space<vmem>>, vector<16xf32>,
        %add3A_179 = arith.addf %mul3A_176, %get3A_178 : vector<16xf32>
        %swap3A_180 = arith.index_cast %add3A_159 : i32 to index
        %swap3A_181 = arith.constant 16 : index
        %swap3A_182 = tpu.vector_load %arg11[%swap3A_180, %swap3A_181] {strides = array<i32>} : memref<832x32xf32, #tpu.memory_space<vmem>>, vector<16xf32>,
        tpu.vector_store %arg11[%swap3A_180, %swap3A_181], %add3A_179 {strides = array<i32>} : memref<832x32xf32, #tpu.memory_space<vmem>>, vector<16xf32>,
        %mul3A_183 = arith.constant 13 : i32
        %mul3A_184 = arith.muli %scan3A_51, %mul3A_183 : i32
        %add3A_185 = arith.constant 5 : i32
        %add3A_186 = arith.addi %mul3A_184, %add3A_185 : i32
        %broadcast_in_dim3A_187 = arith.constant 0 : i32
        %broadcast_in_dim3A_188 = vector.broadcast %broadcast_in_dim3A_187 : i32 to vector<16xi32>
        %add3A_189 = vector.broadcast %add3A_186 : i32 to vector<16xi32>
        %add3A_190 = arith.addi %broadcast_in_dim3A_188, %add3A_189 : vector<16xi32>
        %gather3A_191 = tpu.vector_load_idx %arg12[%add3A_190] : memref<832xf32, #tpu.memory_space<vmem>>[vector<16xi32>], vector<16xf32>,
        %get3A_192 = arith.constant 160 : index
        %get3A_193 = tpu.vector_load %arg13[%get3A_192] {strides = array<i32>} : memref<416xf32, #tpu.memory_space<vmem>>, vector<16xf32>,
        %mul3A_194 = arith.mulf %gather3A_191, %get3A_193 : vector<16xf32>
        %get3A_195 = arith.constant 160 : index
        %get3A_196 = tpu.vector_load %arg14[%get3A_195] {strides = array<i32>} : memref<416xf32, #tpu.memory_space<vmem>>, vector<16xf32>,
        %add3A_197 = arith.addf %mul3A_194, %get3A_196 : vector<16xf32>
        %swap3A_198 = arith.index_cast %add3A_186 : i32 to index
        %swap3A_199 = arith.constant 0 : index
        %swap3A_200 = tpu.vector_load %arg11[%swap3A_198, %swap3A_199] {strides = array<i32>} : memref<832x32xf32, #tpu.memory_space<vmem>>, vector<16xf32>,
        tpu.vector_store %arg11[%swap3A_198, %swap3A_199], %add3A_197 {strides = array<i32>} : memref<832x32xf32, #tpu.memory_space<vmem>>, vector<16xf32>,
        %get3A_201 = arith.constant 176 : index
        %get3A_202 = tpu.vector_load %arg13[%get3A_201] {strides = array<i32>} : memref<416xf32, #tpu.memory_space<vmem>>, vector<16xf32>,
        %mul3A_203 = arith.mulf %gather3A_191, %get3A_202 : vector<16xf32>
        %get3A_204 = arith.constant 176 : index
        %get3A_205 = tpu.vector_load %arg14[%get3A_204] {strides = array<i32>} : memref<416xf32, #tpu.memory_space<vmem>>, vector<16xf32>,
        %add3A_206 = arith.addf %mul3A_203, %get3A_205 : vector<16xf32>
        %swap3A_207 = arith.index_cast %add3A_186 : i32 to index
        %swap3A_208 = arith.constant 16 : index
        %swap3A_209 = tpu.vector_load %arg11[%swap3A_207, %swap3A_208] {strides = array<i32>} : memref<832x32xf32, #tpu.memory_space<vmem>>, vector<16xf32>,
        tpu.vector_store %arg11[%swap3A_207, %swap3A_208], %add3A_206 {strides = array<i32>} : memref<832x32xf32, #tpu.memory_space<vmem>>, vector<16xf32>,
        %mul3A_210 = arith.constant 13 : i32
        %mul3A_211 = arith.muli %scan3A_51, %mul3A_210 : i32
        %add3A_212 = arith.constant 6 : i32
        %add3A_213 = arith.addi %mul3A_211, %add3A_212 : i32
        %broadcast_in_dim3A_214 = arith.constant 0 : i32
        %broadcast_in_dim3A_215 = vector.broadcast %broadcast_in_dim3A_214 : i32 to vector<16xi32>
        %add3A_216 = vector.broadcast %add3A_213 : i32 to vector<16xi32>
        %add3A_217 = arith.addi %broadcast_in_dim3A_215, %add3A_216 : vector<16xi32>
        %gather3A_218 = tpu.vector_load_idx %arg12[%add3A_217] : memref<832xf32, #tpu.memory_space<vmem>>[vector<16xi32>], vector<16xf32>,
        %get3A_219 = arith.constant 192 : index
        %get3A_220 = tpu.vector_load %arg13[%get3A_219] {strides = array<i32>} : memref<416xf32, #tpu.memory_space<vmem>>, vector<16xf32>,
        %mul3A_221 = arith.mulf %gather3A_218, %get3A_220 : vector<16xf32>
        %get3A_222 = arith.constant 192 : index
        %get3A_223 = tpu.vector_load %arg14[%get3A_222] {strides = array<i32>} : memref<416xf32, #tpu.memory_space<vmem>>, vector<16xf32>,
        %add3A_224 = arith.addf %mul3A_221, %get3A_223 : vector<16xf32>
        %swap3A_225 = arith.index_cast %add3A_213 : i32 to index
        %swap3A_226 = arith.constant 0 : index
        %swap3A_227 = tpu.vector_load %arg11[%swap3A_225, %swap3A_226] {strides = array<i32>} : memref<832x32xf32, #tpu.memory_space<vmem>>, vector<16xf32>,
        tpu.vector_store %arg11[%swap3A_225, %swap3A_226], %add3A_224 {strides = array<i32>} : memref<832x32xf32, #tpu.memory_space<vmem>>, vector<16xf32>,
        %get3A_228 = arith.constant 208 : index
        %get3A_229 = tpu.vector_load %arg13[%get3A_228] {strides = array<i32>} : memref<416xf32, #tpu.memory_space<vmem>>, vector<16xf32>,
        %mul3A_230 = arith.mulf %gather3A_218, %get3A_229 : vector<16xf32>
        %get3A_231 = arith.constant 208 : index
        %get3A_232 = tpu.vector_load %arg14[%get3A_231] {strides = array<i32>} : memref<416xf32, #tpu.memory_space<vmem>>, vector<16xf32>,
        %add3A_233 = arith.addf %mul3A_230, %get3A_232 : vector<16xf32>
        %swap3A_234 = arith.index_cast %add3A_213 : i32 to index
        %swap3A_235 = arith.constant 16 : index
        %swap3A_236 = tpu.vector_load %arg11[%swap3A_234, %swap3A_235] {strides = array<i32>} : memref<832x32xf32, #tpu.memory_space<vmem>>, vector<16xf32>,
        tpu.vector_store %arg11[%swap3A_234, %swap3A_235], %add3A_233 {strides = array<i32>} : memref<832x32xf32, #tpu.memory_space<vmem>>, vector<16xf32>,
        %mul3A_237 = arith.constant 13 : i32
        %mul3A_238 = arith.muli %scan3A_51, %mul3A_237 : i32
        %add3A_239 = arith.constant 7 : i32
        %add3A_240 = arith.addi %mul3A_238, %add3A_239 : i32
        %broadcast_in_dim3A_241 = arith.constant 0 : i32
        %broadcast_in_dim3A_242 = vector.broadcast %broadcast_in_dim3A_241 : i32 to vector<16xi32>
        %add3A_243 = vector.broadcast %add3A_240 : i32 to vector<16xi32>
        %add3A_244 = arith.addi %broadcast_in_dim3A_242, %add3A_243 : vector<16xi32>
        %gather3A_245 = tpu.vector_load_idx %arg12[%add3A_244] : memref<832xf32, #tpu.memory_space<vmem>>[vector<16xi32>], vector<16xf32>,
        %get3A_246 = arith.constant 224 : index
        %get3A_247 = tpu.vector_load %arg13[%get3A_246] {strides = array<i32>} : memref<416xf32, #tpu.memory_space<vmem>>, vector<16xf32>,
        %mul3A_248 = arith.mulf %gather3A_245, %get3A_247 : vector<16xf32>
        %get3A_249 = arith.constant 224 : index
        %get3A_250 = tpu.vector_load %arg14[%get3A_249] {strides = array<i32>} : memref<416xf32, #tpu.memory_space<vmem>>, vector<16xf32>,
        %add3A_251 = arith.addf %mul3A_248, %get3A_250 : vector<16xf32>
        %swap3A_252 = arith.index_cast %add3A_240 : i32 to index
        %swap3A_253 = arith.constant 0 : index
        %swap3A_254 = tpu.vector_load %arg11[%swap3A_252, %swap3A_253] {strides = array<i32>} : memref<832x32xf32, #tpu.memory_space<vmem>>, vector<16xf32>,
        tpu.vector_store %arg11[%swap3A_252, %swap3A_253], %add3A_251 {strides = array<i32>} : memref<832x32xf32, #tpu.memory_space<vmem>>, vector<16xf32>,
        %get3A_255 = arith.constant 240 : index
        %get3A_256 = tpu.vector_load %arg13[%get3A_255] {strides = array<i32>} : memref<416xf32, #tpu.memory_space<vmem>>, vector<16xf32>,
        %mul3A_257 = arith.mulf %gather3A_245, %get3A_256 : vector<16xf32>
        %get3A_258 = arith.constant 240 : index
        %get3A_259 = tpu.vector_load %arg14[%get3A_258] {strides = array<i32>} : memref<416xf32, #tpu.memory_space<vmem>>, vector<16xf32>,
        %add3A_260 = arith.addf %mul3A_257, %get3A_259 : vector<16xf32>
        %swap3A_261 = arith.index_cast %add3A_240 : i32 to index
        %swap3A_262 = arith.constant 16 : index
        %swap3A_263 = tpu.vector_load %arg11[%swap3A_261, %swap3A_262] {strides = array<i32>} : memref<832x32xf32, #tpu.memory_space<vmem>>, vector<16xf32>,
        tpu.vector_store %arg11[%swap3A_261, %swap3A_262], %add3A_260 {strides = array<i32>} : memref<832x32xf32, #tpu.memory_space<vmem>>, vector<16xf32>,
        %mul3A_264 = arith.constant 13 : i32
        %mul3A_265 = arith.muli %scan3A_51, %mul3A_264 : i32
        %add3A_266 = arith.constant 8 : i32
        %add3A_267 = arith.addi %mul3A_265, %add3A_266 : i32
        %broadcast_in_dim3A_268 = arith.constant 0 : i32
        %broadcast_in_dim3A_269 = vector.broadcast %broadcast_in_dim3A_268 : i32 to vector<16xi32>
        %add3A_270 = vector.broadcast %add3A_267 : i32 to vector<16xi32>
        %add3A_271 = arith.addi %broadcast_in_dim3A_269, %add3A_270 : vector<16xi32>
        %gather3A_272 = tpu.vector_load_idx %arg12[%add3A_271] : memref<832xf32, #tpu.memory_space<vmem>>[vector<16xi32>], vector<16xf32>,
        %get3A_273 = arith.constant 256 : index
        %get3A_274 = tpu.vector_load %arg13[%get3A_273] {strides = array<i32>} : memref<416xf32, #tpu.memory_space<vmem>>, vector<16xf32>,
        %mul3A_275 = arith.mulf %gather3A_272, %get3A_274 : vector<16xf32>
        %get3A_276 = arith.constant 256 : index
        %get3A_277 = tpu.vector_load %arg14[%get3A_276] {strides = array<i32>} : memref<416xf32, #tpu.memory_space<vmem>>, vector<16xf32>,
        %add3A_278 = arith.addf %mul3A_275, %get3A_277 : vector<16xf32>
        %swap3A_279 = arith.index_cast %add3A_267 : i32 to index
        %swap3A_280 = arith.constant 0 : index
        %swap3A_281 = tpu.vector_load %arg11[%swap3A_279, %swap3A_280] {strides = array<i32>} : memref<832x32xf32, #tpu.memory_space<vmem>>, vector<16xf32>,
        tpu.vector_store %arg11[%swap3A_279, %swap3A_280], %add3A_278 {strides = array<i32>} : memref<832x32xf32, #tpu.memory_space<vmem>>, vector<16xf32>,
        %get3A_282 = arith.constant 272 : index
        %get3A_283 = tpu.vector_load %arg13[%get3A_282] {strides = array<i32>} : memref<416xf32, #tpu.memory_space<vmem>>, vector<16xf32>,
        %mul3A_284 = arith.mulf %gather3A_272, %get3A_283 : vector<16xf32>
        %get3A_285 = arith.constant 272 : index
        %get3A_286 = tpu.vector_load %arg14[%get3A_285] {strides = array<i32>} : memref<416xf32, #tpu.memory_space<vmem>>, vector<16xf32>,
        %add3A_287 = arith.addf %mul3A_284, %get3A_286 : vector<16xf32>
        %swap3A_288 = arith.index_cast %add3A_267 : i32 to index
        %swap3A_289 = arith.constant 16 : index
        %swap3A_290 = tpu.vector_load %arg11[%swap3A_288, %swap3A_289] {strides = array<i32>} : memref<832x32xf32, #tpu.memory_space<vmem>>, vector<16xf32>,
        tpu.vector_store %arg11[%swap3A_288, %swap3A_289], %add3A_287 {strides = array<i32>} : memref<832x32xf32, #tpu.memory_space<vmem>>, vector<16xf32>,
        %mul3A_291 = arith.constant 13 : i32
        %mul3A_292 = arith.muli %scan3A_51, %mul3A_291 : i32
        %add3A_293 = arith.constant 9 : i32
        %add3A_294 = arith.addi %mul3A_292, %add3A_293 : i32
        %broadcast_in_dim3A_295 = arith.constant 0 : i32
        %broadcast_in_dim3A_296 = vector.broadcast %broadcast_in_dim3A_295 : i32 to vector<16xi32>
        %add3A_297 = vector.broadcast %add3A_294 : i32 to vector<16xi32>
        %add3A_298 = arith.addi %broadcast_in_dim3A_296, %add3A_297 : vector<16xi32>
        %gather3A_299 = tpu.vector_load_idx %arg12[%add3A_298] : memref<832xf32, #tpu.memory_space<vmem>>[vector<16xi32>], vector<16xf32>,
        %get3A_300 = arith.constant 288 : index
        %get3A_301 = tpu.vector_load %arg13[%get3A_300] {strides = array<i32>} : memref<416xf32, #tpu.memory_space<vmem>>, vector<16xf32>,
        %mul3A_302 = arith.mulf %gather3A_299, %get3A_301 : vector<16xf32>
        %get3A_303 = arith.constant 288 : index
        %get3A_304 = tpu.vector_load %arg14[%get3A_303] {strides = array<i32>} : memref<416xf32, #tpu.memory_space<vmem>>, vector<16xf32>,
        %add3A_305 = arith.addf %mul3A_302, %get3A_304 : vector<16xf32>
        %swap3A_306 = arith.index_cast %add3A_294 : i32 to index
        %swap3A_307 = arith.constant 0 : index
        %swap3A_308 = tpu.vector_load %arg11[%swap3A_306, %swap3A_307] {strides = array<i32>} : memref<832x32xf32, #tpu.memory_space<vmem>>, vector<16xf32>,
        tpu.vector_store %arg11[%swap3A_306, %swap3A_307], %add3A_305 {strides = array<i32>} : memref<832x32xf32, #tpu.memory_space<vmem>>, vector<16xf32>,
        %get3A_309 = arith.constant 304 : index
        %get3A_310 = tpu.vector_load %arg13[%get3A_309] {strides = array<i32>} : memref<416xf32, #tpu.memory_space<vmem>>, vector<16xf32>,
        %mul3A_311 = arith.mulf %gather3A_299, %get3A_310 : vector<16xf32>
        %get3A_312 = arith.constant 304 : index
        %get3A_313 = tpu.vector_load %arg14[%get3A_312] {strides = array<i32>} : memref<416xf32, #tpu.memory_space<vmem>>, vector<16xf32>,
        %add3A_314 = arith.addf %mul3A_311, %get3A_313 : vector<16xf32>
        %swap3A_315 = arith.index_cast %add3A_294 : i32 to index
        %swap3A_316 = arith.constant 16 : index
        %swap3A_317 = tpu.vector_load %arg11[%swap3A_315, %swap3A_316] {strides = array<i32>} : memref<832x32xf32, #tpu.memory_space<vmem>>, vector<16xf32>,
        tpu.vector_store %arg11[%swap3A_315, %swap3A_316], %add3A_314 {strides = array<i32>} : memref<832x32xf32, #tpu.memory_space<vmem>>, vector<16xf32>,
        %mul3A_318 = arith.constant 13 : i32
        %mul3A_319 = arith.muli %scan3A_51, %mul3A_318 : i32
        %add3A_320 = arith.constant 10 : i32
        %add3A_321 = arith.addi %mul3A_319, %add3A_320 : i32
        %broadcast_in_dim3A_322 = arith.constant 0 : i32
        %broadcast_in_dim3A_323 = vector.broadcast %broadcast_in_dim3A_322 : i32 to vector<16xi32>
        %add3A_324 = vector.broadcast %add3A_321 : i32 to vector<16xi32>
        %add3A_325 = arith.addi %broadcast_in_dim3A_323, %add3A_324 : vector<16xi32>
        %gather3A_326 = tpu.vector_load_idx %arg12[%add3A_325] : memref<832xf32, #tpu.memory_space<vmem>>[vector<16xi32>], vector<16xf32>,
        %get3A_327 = arith.constant 320 : index
        %get3A_328 = tpu.vector_load %arg13[%get3A_327] {strides = array<i32>} : memref<416xf32, #tpu.memory_space<vmem>>, vector<16xf32>,
        %mul3A_329 = arith.mulf %gather3A_326, %get3A_328 : vector<16xf32>
        %get3A_330 = arith.constant 320 : index
        %get3A_331 = tpu.vector_load %arg14[%get3A_330] {strides = array<i32>} : memref<416xf32, #tpu.memory_space<vmem>>, vector<16xf32>,
        %add3A_332 = arith.addf %mul3A_329, %get3A_331 : vector<16xf32>
        %swap3A_333 = arith.index_cast %add3A_321 : i32 to index
        %swap3A_334 = arith.constant 0 : index
        %swap3A_335 = tpu.vector_load %arg11[%swap3A_333, %swap3A_334] {strides = array<i32>} : memref<832x32xf32, #tpu.memory_space<vmem>>, vector<16xf32>,
        tpu.vector_store %arg11[%swap3A_333, %swap3A_334], %add3A_332 {strides = array<i32>} : memref<832x32xf32, #tpu.memory_space<vmem>>, vector<16xf32>,
        %get3A_336 = arith.constant 336 : index
        %get3A_337 = tpu.vector_load %arg13[%get3A_336] {strides = array<i32>} : memref<416xf32, #tpu.memory_space<vmem>>, vector<16xf32>,
        %mul3A_338 = arith.mulf %gather3A_326, %get3A_337 : vector<16xf32>
        %get3A_339 = arith.constant 336 : index
        %get3A_340 = tpu.vector_load %arg14[%get3A_339] {strides = array<i32>} : memref<416xf32, #tpu.memory_space<vmem>>, vector<16xf32>,
        %add3A_341 = arith.addf %mul3A_338, %get3A_340 : vector<16xf32>
        %swap3A_342 = arith.index_cast %add3A_321 : i32 to index
        %swap3A_343 = arith.constant 16 : index
        %swap3A_344 = tpu.vector_load %arg11[%swap3A_342, %swap3A_343] {strides = array<i32>} : memref<832x32xf32, #tpu.memory_space<vmem>>, vector<16xf32>,
        tpu.vector_store %arg11[%swap3A_342, %swap3A_343], %add3A_341 {strides = array<i32>} : memref<832x32xf32, #tpu.memory_space<vmem>>, vector<16xf32>,
        %mul3A_345 = arith.constant 13 : i32
        %mul3A_346 = arith.muli %scan3A_51, %mul3A_345 : i32
        %add3A_347 = arith.constant 11 : i32
        %add3A_348 = arith.addi %mul3A_346, %add3A_347 : i32
        %broadcast_in_dim3A_349 = arith.constant 0 : i32
        %broadcast_in_dim3A_350 = vector.broadcast %broadcast_in_dim3A_349 : i32 to vector<16xi32>
        %add3A_351 = vector.broadcast %add3A_348 : i32 to vector<16xi32>
        %add3A_352 = arith.addi %broadcast_in_dim3A_350, %add3A_351 : vector<16xi32>
        %gather3A_353 = tpu.vector_load_idx %arg12[%add3A_352] : memref<832xf32, #tpu.memory_space<vmem>>[vector<16xi32>], vector<16xf32>,
        %get3A_354 = arith.constant 352 : index
        %get3A_355 = tpu.vector_load %arg13[%get3A_354] {strides = array<i32>} : memref<416xf32, #tpu.memory_space<vmem>>, vector<16xf32>,
        %mul3A_356 = arith.mulf %gather3A_353, %get3A_355 : vector<16xf32>
        %get3A_357 = arith.constant 352 : index
        %get3A_358 = tpu.vector_load %arg14[%get3A_357] {strides = array<i32>} : memref<416xf32, #tpu.memory_space<vmem>>, vector<16xf32>,
        %add3A_359 = arith.addf %mul3A_356, %get3A_358 : vector<16xf32>
        %swap3A_360 = arith.index_cast %add3A_348 : i32 to index
        %swap3A_361 = arith.constant 0 : index
        %swap3A_362 = tpu.vector_load %arg11[%swap3A_360, %swap3A_361] {strides = array<i32>} : memref<832x32xf32, #tpu.memory_space<vmem>>, vector<16xf32>,
        tpu.vector_store %arg11[%swap3A_360, %swap3A_361], %add3A_359 {strides = array<i32>} : memref<832x32xf32, #tpu.memory_space<vmem>>, vector<16xf32>,
        %get3A_363 = arith.constant 368 : index
        %get3A_364 = tpu.vector_load %arg13[%get3A_363] {strides = array<i32>} : memref<416xf32, #tpu.memory_space<vmem>>, vector<16xf32>,
        %mul3A_365 = arith.mulf %gather3A_353, %get3A_364 : vector<16xf32>
        %get3A_366 = arith.constant 368 : index
        %get3A_367 = tpu.vector_load %arg14[%get3A_366] {strides = array<i32>} : memref<416xf32, #tpu.memory_space<vmem>>, vector<16xf32>,
        %add3A_368 = arith.addf %mul3A_365, %get3A_367 : vector<16xf32>
        %swap3A_369 = arith.index_cast %add3A_348 : i32 to index
        %swap3A_370 = arith.constant 16 : index
        %swap3A_371 = tpu.vector_load %arg11[%swap3A_369, %swap3A_370] {strides = array<i32>} : memref<832x32xf32, #tpu.memory_space<vmem>>, vector<16xf32>,
        tpu.vector_store %arg11[%swap3A_369, %swap3A_370], %add3A_368 {strides = array<i32>} : memref<832x32xf32, #tpu.memory_space<vmem>>, vector<16xf32>,
        %mul3A_372 = arith.constant 13 : i32
        %mul3A_373 = arith.muli %scan3A_51, %mul3A_372 : i32
        %add3A_374 = arith.constant 12 : i32
        %add3A_375 = arith.addi %mul3A_373, %add3A_374 : i32
        %broadcast_in_dim3A_376 = arith.constant 0 : i32
        %broadcast_in_dim3A_377 = vector.broadcast %broadcast_in_dim3A_376 : i32 to vector<16xi32>
        %add3A_378 = vector.broadcast %add3A_375 : i32 to vector<16xi32>
        %add3A_379 = arith.addi %broadcast_in_dim3A_377, %add3A_378 : vector<16xi32>
        %gather3A_380 = tpu.vector_load_idx %arg12[%add3A_379] : memref<832xf32, #tpu.memory_space<vmem>>[vector<16xi32>], vector<16xf32>,
        %get3A_381 = arith.constant 384 : index
        %get3A_382 = tpu.vector_load %arg13[%get3A_381] {strides = array<i32>} : memref<416xf32, #tpu.memory_space<vmem>>, vector<16xf32>,
        %mul3A_383 = arith.mulf %gather3A_380, %get3A_382 : vector<16xf32>
        %get3A_384 = arith.constant 384 : index
        %get3A_385 = tpu.vector_load %arg14[%get3A_384] {strides = array<i32>} : memref<416xf32, #tpu.memory_space<vmem>>, vector<16xf32>,
        %add3A_386 = arith.addf %mul3A_383, %get3A_385 : vector<16xf32>
        %swap3A_387 = arith.index_cast %add3A_375 : i32 to index
        %swap3A_388 = arith.constant 0 : index
        %swap3A_389 = tpu.vector_load %arg11[%swap3A_387, %swap3A_388] {strides = array<i32>} : memref<832x32xf32, #tpu.memory_space<vmem>>, vector<16xf32>,
        tpu.vector_store %arg11[%swap3A_387, %swap3A_388], %add3A_386 {strides = array<i32>} : memref<832x32xf32, #tpu.memory_space<vmem>>, vector<16xf32>,
        %get3A_390 = arith.constant 400 : index
        %get3A_391 = tpu.vector_load %arg13[%get3A_390] {strides = array<i32>} : memref<416xf32, #tpu.memory_space<vmem>>, vector<16xf32>,
        %mul3A_392 = arith.mulf %gather3A_380, %get3A_391 : vector<16xf32>
        %get3A_393 = arith.constant 400 : index
        %get3A_394 = tpu.vector_load %arg14[%get3A_393] {strides = array<i32>} : memref<416xf32, #tpu.memory_space<vmem>>, vector<16xf32>,
        %add3A_395 = arith.addf %mul3A_392, %get3A_394 : vector<16xf32>
        %swap3A_396 = arith.index_cast %add3A_375 : i32 to index
        %swap3A_397 = arith.constant 16 : index
        %swap3A_398 = tpu.vector_load %arg11[%swap3A_396, %swap3A_397] {strides = array<i32>} : memref<832x32xf32, #tpu.memory_space<vmem>>, vector<16xf32>,
        tpu.vector_store %arg11[%swap3A_396, %swap3A_397], %add3A_395 {strides = array<i32>} : memref<832x32xf32, #tpu.memory_space<vmem>>, vector<16xf32>,
      }
      %scan3A_27 = arith.constant 64 : i32
      %dma_wait3A = arith.constant 0 : i32
      %dma_wait3A_28 = arith.constant 0 : i32
      %dma_wait3A_29 = tpu.memref_slice %arg4[%dma_wait3A, %dma_wait3A_28] : memref<2600000x32xf32, #tpu.memory_space<hbm>> -> memref<1664x32xf32, #tpu.memory_space<hbm>>
      %dma_wait3A_30 = arith.constant 0 : i32
      %dma_wait3A_31 = arith.constant 0 : i32
      %dma_wait3A_32 = tpu.memref_slice %arg4[%dma_wait3A_30, %dma_wait3A_31] : memref<2600000x32xf32, #tpu.memory_space<hbm>> -> memref<1664x32xf32, #tpu.memory_space<hbm>>
      tpu.wait_dma2 semaphore(%arg16 : memref<!tpu.dma_semaphore, #tpu.memory_space<semaphore_mem>>) src(%dma_wait3A_32 : memref<1664x32xf32, #tpu.memory_space<hbm>>) dst(%arg10 : memref<1664x32xf32, #tpu.memory_space<vmem>>)
      %scan3A_33 = arith.constant 0 : i32
      %scan3A_34 = arith.constant 0 : i32
      %scan3A_35 = arith.constant 64 : i32
      %scan3A_36 = arith.addi %scan3A_34, %scan3A_35 : i32
      %scan3A_37 = arith.constant 1 : i32
      scf.for %scan3A_51 = %scan3A_34 to %scan3A_36 step %scan3A_37  : i32 {
        %add3A_52 = arith.addi %add3A_11, %scan3A_51 : i32
        %mul3A_53 = arith.constant 26 : i32
        %mul3A_54 = arith.muli %scan3A_51, %mul3A_53 : i32
        %dma_start3A = arith.constant 0 : i32
        %dma_start3A_55 = tpu.memref_slice %arg10[%mul3A_54, %dma_start3A] : memref<1664x32xf32, #tpu.memory_space<vmem>> -> memref<26x32xf32, #tpu.memory_space<vmem>>
        %dma_start3A_56 = arith.constant 0 : i32
        %dma_start3A_57 = arith.constant 0 : i32
        %dma_start3A_58 = tpu.memref_slice %arg8[%add3A_52, %dma_start3A_56, %dma_start3A_57] : memref<16384x39x32xf32, #tpu.memory_space<hbm>> -> memref<1x26x32xf32, #tpu.memory_space<hbm>>
        %dma_start3A_59 = tpu.memref_squeeze %dma_start3A_58 : memref<1x26x32xf32, #tpu.memory_space<hbm>> -> memref<26x32xf32, #tpu.memory_space<hbm>>
        %dma_start3A_60 = arith.constant 0 : i32
        %dma_start3A_61 = arith.constant 0 : i32
        %dma_start3A_62 = tpu.memref_slice %arg8[%add3A_52, %dma_start3A_60, %dma_start3A_61] : memref<16384x39x32xf32, #tpu.memory_space<hbm>> -> memref<1x26x32xf32, #tpu.memory_space<hbm>>
        %dma_start3A_63 = tpu.memref_squeeze %dma_start3A_62 : memref<1x26x32xf32, #tpu.memory_space<hbm>> -> memref<26x32xf32, #tpu.memory_space<hbm>>
        %dma_start3A_64 = arith.constant 0 : i32
        %dma_start3A_65 = tpu.memref_slice %arg10[%mul3A_54, %dma_start3A_64] : memref<1664x32xf32, #tpu.memory_space<vmem>> -> memref<26x32xf32, #tpu.memory_space<vmem>>
        tpu.enqueue_dma source(%dma_start3A_65 : memref<26x32xf32, #tpu.memory_space<vmem>>) target(%dma_start3A_63 : memref<26x32xf32, #tpu.memory_space<hbm>>) target_semaphore(%arg17 : memref<!tpu.dma_semaphore, #tpu.memory_space<semaphore_mem>>)
        %mul3A_66 = arith.constant 13 : i32
        %mul3A_67 = arith.muli %scan3A_51, %mul3A_66 : i32
        %dma_start3A_68 = arith.constant 0 : i32
        %dma_start3A_69 = tpu.memref_slice %arg11[%mul3A_67, %dma_start3A_68] : memref<832x32xf32, #tpu.memory_space<vmem>> -> memref<13x32xf32, #tpu.memory_space<vmem>>
        %dma_start3A_70 = arith.constant 26 : i32
        %dma_start3A_71 = arith.constant 0 : i32
        %dma_start3A_72 = tpu.memref_slice %arg8[%add3A_52, %dma_start3A_70, %dma_start3A_71] : memref<16384x39x32xf32, #tpu.memory_space<hbm>> -> memref<1x13x32xf32, #tpu.memory_space<hbm>>
        %dma_start3A_73 = tpu.memref_squeeze %dma_start3A_72 : memref<1x13x32xf32, #tpu.memory_space<hbm>> -> memref<13x32xf32, #tpu.memory_space<hbm>>
        %dma_start3A_74 = arith.constant 26 : i32
        %dma_start3A_75 = arith.constant 0 : i32
        %dma_start3A_76 = tpu.memref_slice %arg8[%add3A_52, %dma_start3A_74, %dma_start3A_75] : memref<16384x39x32xf32, #tpu.memory_space<hbm>> -> memref<1x13x32xf32, #tpu.memory_space<hbm>>
        %dma_start3A_77 = tpu.memref_squeeze %dma_start3A_76 : memref<1x13x32xf32, #tpu.memory_space<hbm>> -> memref<13x32xf32, #tpu.memory_space<hbm>>
        %dma_start3A_78 = arith.constant 0 : i32
        %dma_start3A_79 = tpu.memref_slice %arg11[%mul3A_67, %dma_start3A_78] : memref<832x32xf32, #tpu.memory_space<vmem>> -> memref<13x32xf32, #tpu.memory_space<vmem>>
        tpu.enqueue_dma source(%dma_start3A_79 : memref<13x32xf32, #tpu.memory_space<vmem>>) target(%dma_start3A_77 : memref<13x32xf32, #tpu.memory_space<hbm>>) target_semaphore(%arg17 : memref<!tpu.dma_semaphore, #tpu.memory_space<semaphore_mem>>)
      }
      %scan3A_38 = arith.constant 64 : i32
      %dma_wait3A_39 = arith.constant 0 : i32
      %dma_wait3A_40 = arith.constant 0 : i32
      %dma_wait3A_41 = tpu.memref_slice %arg4[%dma_wait3A_39, %dma_wait3A_40] : memref<2600000x32xf32, #tpu.memory_space<hbm>> -> memref<1664x32xf32, #tpu.memory_space<hbm>>
      %dma_wait3A_42 = arith.constant 0 : i32
      %dma_wait3A_43 = arith.constant 0 : i32
      %dma_wait3A_44 = tpu.memref_slice %arg4[%dma_wait3A_42, %dma_wait3A_43] : memref<2600000x32xf32, #tpu.memory_space<hbm>> -> memref<1664x32xf32, #tpu.memory_space<hbm>>
      tpu.wait_dma2 semaphore(%arg17 : memref<!tpu.dma_semaphore, #tpu.memory_space<semaphore_mem>>) src(%dma_wait3A_44 : memref<1664x32xf32, #tpu.memory_space<hbm>>) dst(%arg10 : memref<1664x32xf32, #tpu.memory_space<vmem>>)
      %dma_wait3A_45 = arith.constant 0 : i32
      %dma_wait3A_46 = arith.constant 0 : i32
      %dma_wait3A_47 = tpu.memref_slice %arg4[%dma_wait3A_45, %dma_wait3A_46] : memref<2600000x32xf32, #tpu.memory_space<hbm>> -> memref<832x32xf32, #tpu.memory_space<hbm>>
      %dma_wait3A_48 = arith.constant 0 : i32
      %dma_wait3A_49 = arith.constant 0 : i32
      %dma_wait3A_50 = tpu.memref_slice %arg4[%dma_wait3A_48, %dma_wait3A_49] : memref<2600000x32xf32, #tpu.memory_space<hbm>> -> memref<832x32xf32, #tpu.memory_space<hbm>>
      tpu.wait_dma2 semaphore(%arg17 : memref<!tpu.dma_semaphore, #tpu.memory_space<semaphore_mem>>) src(%dma_wait3A_50 : memref<832x32xf32, #tpu.memory_space<hbm>>) dst(%arg11 : memref<832x32xf32, #tpu.memory_space<vmem>>)
    }
    %scan3A_5 = arith.constant 8 : i32
    return
  }
}

</mosaic_0001>

<sc_bundles>
// kernel: kernel.3.cloned.1.call-start
scs
__scs_entry_jumppad:
0x0: {  	(pc) =	sbr.rel $0x88, $3  }
0x1: {  	(tag) =	ssettag $0x0;
	lr =	simm.s32 $0x1  }
0x2: {  	[smem:$0x3F9C] =	sst lr;
	_ =	strace $0xD0000000  }
0x3: {  	_ = 	snop  }
0x4: {  	_ = 	snop  }
0x5: {  	_ = 	snop  }
0x6: {  	_ = 	snop  }
0x7: {  	_ = 	snop  }
__scs_overlays_trampoline_lowered:
0x8: {  	[smem:$0x3FAB] =	sst s0  }
0x9: {  	[smem:$0x3FAC] =	sst s1  }
0xa: {  	[smem:$0x3FAD] =	sst s2  }
0xb: {  	[smem:$0x3FAE] =	sst s3  }
0xc: {  	[smem:$0x3FAF] =	sst s4  }
0xd: {  	[smem:$0x3FB0] =	sst s5  }
0xe: {  	[smem:$0x3FB1] =	sst s6  }
0xf: {  	[smem:$0x3FB2] =	sst s7  }
0x10: {  	[smem:$0x3FB3] =	sst s8  }
0x11: {  	[smem:$0x3FB4] =	sst s9;
	s0 =	simm.s32 @!p0 $0x0  }
0x12: {  	s1 =	sld [smem:$0x3F9A];
	s0 =	simm.s32 @p0 $0x1  }
0x13: {  	[smem:$0x3FB5] =	sst s0;
	s0 =	simm.s32 @!p1 $0x0  }
0x14: {  	s2 =	sld [smem:$0x3F99];
	s0 =	simm.s32 @p1 $0x1  }
0x15: {  	[smem:$0x3FB6] =	sst s0;
	s0 =	simm.s32 @!p2 $0x0  }
0x16: {  	s3 =	sld [smem:$0x3FDB];
	s0 =	simm.s32 @p2 $0x1  }
0x17: {  	s4 =	simm.s32 $0x1BF5;
	[smem:$0x3FB8] =	sst s0  }
0x18: {  	s0 =	sld [smem:$0x3F9B];
	_ =	swait.ge [sflag:s4], $0x0  }
0x19: {  	s7 =	sld [smem:$0x3F9C]  }
0x1a: {  	s8 =	sadd.s32 $0xFFFFE003, lr  }
0x1b: {  	s9 =	sadd.s32 $0xFFFFFEF7, lr;
	s5 =	simm.s32 $0xFFFFFFFF;
	p2 =	slt.u32 s8, $0xFFFFF086  }
0x1c: {  	p1 =	slt.u32 s9, $0xF7A;
	s5 =	simm.s32 @!p2 $0x0  }
0x1d: {  	s5 =	simm.s32 @p1 $0x1;
	p0 =	seq.s32 s7, s2  }
0x1e: {  	s7 =	smul.u32 @!p0 $0xF7A, s2;
	p2 =	seq.s32 @!p0 s5, $0x0  }
0x1f: {  	s9 =	smul.u32 $0xF7A, s1;
	s8 =	simm.s32 @!p0 $0x1BF5;
	p2 =	por !p2, p0  }
0x20: {  	[sflag:s8] =	ssyncset.s32 @!p0 $0xFFFFF086;
	s6 =	sadd.s32 @!p0 s3, s7;
	s7 =	simm.s32 @!p0 $0x108  }
0x21: {  	s3 =	sadd.s32 s3, s9;
	s6 =	sadd.s32 @!p0 $0x88, s6;
	s7 =	simm.s32 @p2 $0x1082  }
0x22: {  	[simem:s7], [sflag:s8] =	dma.local @!p0 [hbm:s6], $0xF7A  }
0x23: {  	s9 =	sor.u32 $0xD0000000, s2;
	s6 =	simm.s32 $0x108;
	_ =	swait.ge @!p0 [sflag:s8], $0x0  }
0x24: {  	s3 =	sadd.s32 $0x88, s3;
	s6 =	simm.s32 @!p1 $0x1082;
	[sflag:s4] =	ssyncset.s32 $0xFFFFF086  }
0x25: {  	[simem:s6], [sflag:s4] =	dma.local [hbm:s3], $0xF7A  }
0x26: {  	[smem:$0x3F9C] =	sst s1;
	(tag) =	ssettag s2;
	_ =	strace s9  }
0x27: {  	s1 =	sld [smem:$0x3FAC]  }
0x28: {  	s2 =	sld [smem:$0x3FAD]  }
0x29: {  	s4 =	sld [smem:$0x3FAF]  }
0x2a: {  	p0 =	seq.s32 s5, $0x0;
	s5 =	sld [smem:$0x3FB0]  }
0x2b: {  	s6 =	sld [smem:$0x3FB1]  }
0x2c: {  	s7 =	sld [smem:$0x3FB2]  }
0x2d: {  	s3 =	simm.s32 $0x108;
	s8 =	sld [smem:$0x3FB3]  }
0x2e: {  	s3 =	simm.s32 @!p0 $0x1082;
	s9 =	sld [smem:$0x3FB4]  }
0x2f: {  	lr =	sadd.s32 s0, s3;
	s0 =	sld [smem:$0x3FAB]  }
0x30: {  	s3 =	sld [smem:$0x3FAE]  }
0x31: {  	[smem:$0x3FB7] =	sst s10  }
0x32: {  	s10 =	sld [smem:$0x3FB5];
	_ =	sdelay $0x3  }
0x33: {  	p0 =	seq.s32 s10, $0x1;
	s10 =	sld [smem:$0x3FB7];
	_ =	sdelay $0x3  }
0x34: {  	[smem:$0x3FB7] =	sst s10  }
0x35: {  	s10 =	sld [smem:$0x3FB6];
	_ =	sdelay $0x3  }
0x36: {  	p1 =	seq.s32 s10, $0x1;
	s10 =	sld [smem:$0x3FB7];
	_ =	sdelay $0x3  }
0x37: {  	[smem:$0x3FB7] =	sst s10  }
0x38: {  	s10 =	sld [smem:$0x3FB8]  }
0x39: {  	_ = 	snop;
	(pc) =	sbr.ind lr, $3  }
0x3a: {  	_ = 	snop  }
0x3b: {  	_ = 	snop  }
0x3c: {  	p2 =	seq.s32 s10, $0x1;
	s10 =	sld [smem:$0x3FB7]  }
0x3d: {  	_ =	shalt  }
0x3e: {  	_ =	shalt  }
0x3f: {  	_ =	shalt  }
0x40: {  	_ =	shalt  }
0x41: {  	_ =	shalt  }
0x42: {  	_ =	shalt  }
0x43: {  	_ =	shalt  }
0x44: {  	_ =	shalt  }
0x45: {  	_ =	shalt  }
0x46: {  	_ =	shalt  }
0x47: {  	_ =	shalt  }
0x48: {  	_ =	shalt  }
0x49: {  	_ =	shalt  }
0x4a: {  	_ =	shalt  }
0x4b: {  	_ =	shalt  }
0x4c: {  	_ =	shalt  }
0x4d: {  	_ =	shalt  }
0x4e: {  	_ =	shalt  }
0x4f: {  	_ =	shalt  }
0x50: {  	_ =	shalt  }
0x51: {  	_ =	shalt  }
0x52: {  	_ =	shalt  }
0x53: {  	_ =	shalt  }
0x54: {  	_ =	shalt  }
0x55: {  	_ =	shalt  }
0x56: {  	_ =	shalt  }
0x57: {  	_ =	shalt  }
0x58: {  	_ =	shalt  }
0x59: {  	_ =	shalt  }
0x5a: {  	_ =	shalt  }
0x5b: {  	_ =	shalt  }
0x5c: {  	_ =	shalt  }
0x5d: {  	_ =	shalt  }
0x5e: {  	_ =	shalt  }
0x5f: {  	_ =	shalt  }
0x60: {  	_ =	shalt  }
0x61: {  	_ =	shalt  }
0x62: {  	_ =	shalt  }
0x63: {  	_ =	shalt  }
0x64: {  	_ =	shalt  }
0x65: {  	_ =	shalt  }
0x66: {  	_ =	shalt  }
0x67: {  	_ =	shalt  }
0x68: {  	_ =	shalt  }
0x69: {  	_ =	shalt  }
0x6a: {  	_ =	shalt  }
0x6b: {  	_ =	shalt  }
0x6c: {  	_ =	shalt  }
0x6d: {  	_ =	shalt  }
0x6e: {  	_ =	shalt  }
0x6f: {  	_ =	shalt  }
0x70: {  	_ =	shalt  }
0x71: {  	_ =	shalt  }
0x72: {  	_ =	shalt  }
0x73: {  	_ =	shalt  }
0x74: {  	_ =	shalt  }
0x75: {  	_ =	shalt  }
0x76: {  	_ =	shalt  }
0x77: {  	_ =	shalt  }
0x78: {  	_ =	shalt  }
0x79: {  	_ =	shalt  }
0x7a: {  	_ =	shalt  }
0x7b: {  	_ =	shalt  }
0x7c: {  	_ =	shalt  }
0x7d: {  	_ =	shalt  }
0x7e: {  	_ =	shalt  }
0x7f: {  	_ =	shalt  }
0x80: {  	_ =	shalt  }
0x81: {  	_ =	shalt  }
0x82: {  	_ =	shalt  }
0x83: {  	_ =	shalt  }
0x84: {  	_ =	shalt  }
0x85: {  	_ =	shalt  }
0x86: {  	_ =	shalt  }
0x87: {  	_ =	shalt  }
.Lfunc_end0:
.L_simem_size_0:
called_computation.1_lowered:
.L_overlay_start_0:
0x88: {  	s2 =	sld [smem:$0x3FD9]  }
0x89: {  	s3 =	sld [smem:$0x3FFE];
	_ =	sdelay $0x1  }
0x8a: {  	s1 =	srdreg.scid  }
0x8b: {  	s0 =	sand.u32 $0x1, s1  }
0x8c: {  	s17 =	sshll.u32 s0, $0xA;
	s2 =	sadd.s32 s3, s2  }
0x8d: {  	s2 =	sadd.s32 s2, s17  }
0x8e: {  	[smem:$0x3FC3] =	sst s2  }
0x8f: {  	_ = 	snop  }
0x90: {  	s2 =	sld [smem:$0x3FD0];
	(tm) =	ssettm $0x1  }
0x91: {  	s18 =	sld [smem:$0x3FFB];
	_ =	sdelay $0x3  }
0x92: {  	_ =	strace s18  }
0x93: {  	s3 =	sld [smem:$0x3FFC];
	_ =	sdelay $0x3  }
0x94: {  	_ =	strace s3  }
0x95: {  	s3 =	sld [smem:$0x3FFD];
	_ =	sdelay $0x3  }
0x96: {  	_ =	strace s3  }
0x97: {  	_ =	strace $0x8FFFFFFF  }
0x98: {  	s19 =	sld [smem:$0x3FDB];
	_ =	sdelay $0x1  }
0x99: {  	s4 =	simm.s32 $_scs_section_size  }
0x9a: {  	s5 =	simm.s32 $_size__tile_overlayer_lowered;
	s6 =	simm.s32 $_tile_overlayer_lowered  }
0x9b: {  	s22 =	simm.s32 $0x1BFF;
	s21 =	sshll.u32 s6, $0x1;
	s3 =	sadd.s32 s4, s19  }
0x9c: {  	s7 =	simm.s32 $0x0;
	s20 =	sshll.u32 s5, $0x1;
	s5 =	sadd.s32 s21, s3  }
0x9d: {  	[timem:s7], [sflag:s22] =	dma.local [hbm:s5], s20  }
0x9e: {  	_ =	swait.ge [sflag:s22], s20  }
0x9f: {  	s4 =	ssub.s32 $0x0, s20;
	[sflag:s22] =	ssyncset.done $0x0  }
0xa0: {  	[sflag:s22] =	ssyncadd.s32 s4;
	_ =	sdelay $0x1  }
0xa1: {  	s23 =	simm.s32 $0x1B8B  }
0xa2: {  	_ =	swait.ge [sflag:s23], $0x1  }
0xa3: {  	[sflag:s23] =	ssyncset.done $0x0  }
0xa4: {  	s25 =	simm.s32 $0x1B8E;
	s24 =	sld [smem:$0x3FFE];
	[sflag:s23] =	ssyncadd.s32 $0xFFFFFFFF  }
0xa5: {  	s26 =	simm.s32 $execute0_lowered;
	[smem:$0x3FD2] =	sst s25  }
0xa6: {  	s5 =	sshll.u32 s26, $0x1;
	_ =	strace $0x80000046;
	[dreg:$0x1] =	wrdreg $0xFFFFFFFF  }
0xa7: {  	s28 =	simm.s32 $_size_execute0_lowered;
	s3 =	sadd.s32 s3, s5;
	[dreg:$0x0] =	wrdreg $0x0  }
0xa8: {  	s5 =	sshll.u32 s28, $0x1;
	[dreg:$0x2] =	wrdreg s3  }
0xa9: {  	[dreg:$0x3] =	wrdreg s5  }
0xaa: {  	[dreg:$0x4] =	wrdreg $0xC0  }
0xab: {  	_ =	task [dreg:s7], $0x5FFFF  }
0xac: {  	[dreg:$0x1] =	wrdreg $0xFFFFFFFF  }
0xad: {  	[dreg:$0x0] =	wrdreg $0x60  }
0xae: {  	[dreg:$0x2] =	wrdreg s24  }
0xaf: {  	[dreg:$0x3] =	wrdreg s2  }
0xb0: {  	[dreg:$0x4] =	wrdreg $0x9  }
0xb1: {  	_ =	task.clear_ibuf [dreg:s7], $0x5FFFF;
	_ =	strace $0x90000046  }
0xb2: {  	s29 =	simm.s32 $0x9;
	_ =	strace $0x80000048  }
0xb3: {  	_ =	swait.ge [sflag:s29], $0x1  }
0xb4: {  	[sflag:s29] =	ssyncadd.s32 $0xFFFFFFFF  }
0xb5: {  	_ =	strace $0x90000048  }
0xb6: {  	_ =	sfence  }
0xb7: {  	s30 =	sld [smem:$0x0];
	_ =	sdelay $0x2  }
0xb8: {  	s31 =	sshll.u32 s1, $0xD;
	s1 =	sshrl.u32 s1, $0x2  }
0xb9: {  	s3 =	sand.u32 $0x4000, s31;
	s1 =	sadd.s32 s1, s30  }
0xba: {  	s0 =	sor.u32 s3, s0;
	s1 =	sshll.u32 s1, $0x11  }
0xbb: {  	s0 =	sor.u32 s1, s0  }
0xbc: {  	s0 =	sadd.s32 $0x8F2B, s0  }
0xbd: {  	[sflag:s0] =	ssyncadd.remote.s32 $0x1  }
0xbe: {  	_ =	sfence.sel $0xFFFF  }
0xbf: {  	[dreg:$0x0] =	wrdreg $0xFFFFFFFF;
	(pc) =	sbr.abs _section_cstart, $3  }
0xc0: {  	[dreg:$0x1] =	wrdreg $0xFFFFFFFF  }
0xc1: {  	_ =	task.clear_ibuf [dreg:s7], $0x2FFFF;
	_ =	strace $0x9FFFFFFF  }
0xc2: {  	(tm) =	ssettm $0x7FFFFFFF  }
0xc3: {  	_ =	shalt  }
tec
execute0_lowered:
.L_overlay_start_1:
0x0: {  	(tag) =	ssettag $0x1  }
0x1: {  	s8 =	rddreg [dreg:$0x0]  }
0x2: {  	s12 =	rddreg [dreg:$0x1]  }
0x3: {  	s0 =	rddreg [dreg:$0x2];
	s2 =	simm.s32 $0x0;
	s4 =	srdreg.scid  }
0x4: {  	s1 =	stileid.u32;
	s16 =	simm.s32 $0x14500;
	s17 =	simm.s32 $0x13E80  }
0x5: {  	s18 =	simm.s32 $0x1;
	s19 =	simm.s32 $0x2;
	s20 =	simm.s32 $0x0  }
0x6: {  	[smem:$0x7FF] =	sst s2;
	s3 =	sadd.s32 $0x1200, s8;
	s9 =	sand.u32 $0x1, s4  }
0x7: {  	s10 =	smul.u32 $0x138000, s1;
	s4 =	sadd.s32 $0xE200, s8;
	s5 =	sadd.s32 $0x27AD600, s8  }
0x8: {  	s6 =	sadd.s32 $0x14C00, s8;
	s7 =	sadd.s32 $0x14A00, s8;
	s8 =	sadd.s32 $0x14E00, s8  }
0x9: {  	s30 =	sshll.u32 s1, $0xA;
	s11 =	smul.u32 $0x9C000, s9;
	s13 =	ssub.s32 $0x2, s9  }
0xa: {  	_ =	strace $0x80000047;
	s9 =	sshll.u32 s9, $0x9;
	s14 =	sshrl.u32 s13, $0x1  }
0xb: {  	s9 =	sor.u32 s9, s30;
	s15 =	sadd.s32 s11, s10;
	s13 =	ssub.s32 s13, s14  }
0xc: {  	s14 =	simm.s32 $0x3;
	s11 =	sor.u32 $0x340, s15;
	s10 =	smax.u32 s13, $0x1  }
0xd: {  	s31 =	sshrl.u32 s15, $0x3;
	s13 =	simm.s32 $0x141C0;
	s11 =	sshrl.u32 s11, $0x3  }
0xe: {  	vm0 =	vmmov $0xffff;
	s15 =	simm.s32 $0x14360;
	s11 =	sadd.s32 s11, s12;
	s12 =	sadd.s32 s31, s12  }
.LBB2_1:
0xf: {  	[tilespmem:s13], [sflag:$0x3] =	stream.linear.gather [hbm4b:s6+s2], $0x1A0, $0x38;
	[tilespmem:$0x145D0] =	vst v63  }
0x10: {  	_ =	swait.ge [sflag:s14], $0x1A0  }
0x11: {  	[sflag:s14] =	ssyncset.done $0x0  }
0x12: {  	[sflag:s14] =	ssyncadd.s32 $0xFFFFFE60  }
0x13: {  	[tilespmem:s15], [sflag:$0x3] =	stream.linear.gather [hbm4b:s7+s2], $0x1A0, $0x38;
	[tilespmem:$0x145D0] =	vst v63  }
0x14: {  	_ =	swait.ge [sflag:s14], $0x1A0  }
0x15: {  	[sflag:s14] =	ssyncset.done $0x0  }
0x16: {  	[sflag:s14] =	ssyncadd.s32 $0xFFFFFE60  }
0x17: {  	[tilespmem:s16], [sflag:$0x3] =	stream.linear.gather [hbm4b:s8+s2], $0xD0, $0x38;
	[tilespmem:$0x145D0] =	vst v63  }
0x18: {  	_ =	swait.ge [sflag:s14], $0xD0  }
0x19: {  	s21 =	smov.u32 s12;
	[sflag:s14] =	ssyncset.done $0x0  }
0x1a: {  	s22 =	smov.u32 s11;
	s23 =	simm.s32 $0x0;
	[sflag:s14] =	ssyncadd.s32 $0xFFFFFF30  }
.LBB2_2:
0x1b: {  	s24 =	sshll.u32 s23, $0x6  }
0x1c: {  	s24 =	sadd.s32 s9, s24  }
0x1d: {  	s25 =	smul.u32 $0x1A, s24  }
0x1e: {  	s26 =	simm.s32 $0x0  }
0x1f: {  	s31 =	smul.u32 $0x4F, s26;
	s25 =	sshrl.u32 s25, $0x3  }
0x20: {  	s24 =	smul.u32 $0xD, s24;
	s25 =	sadd.s32 s3, s25  }
0x21: {  	[tilespmem:s26], [sflag:$0x3] =	stream.linear.gather [hbm4b:s25+s26], $0x680, $0x38;
	[tilespmem:$0x145D0] =	vst v63  }
0x22: {  	s25 =	sshrl.u32 s31, $0xA;
	_ =	swait.ge [sflag:s14], $0x680  }
0x23: {  	s24 =	sshrl.u32 s24, $0x3;
	s25 =	sand.u32 $0x3F, s25;
	[sflag:s14] =	ssyncset.done $0x0  }
0x24: {  	s24 =	sadd.s32 s4, s24;
	s25 =	smul.u32 $0xD, s25;
	[sflag:s14] =	ssyncadd.s32 $0xFFFFF980  }
0x25: {  	[tilespmem:s17], [sflag:$0x3] =	stream.linear.gather [hbm4b:s24+s26], $0x340, $0x38;
	[tilespmem:$0x145D0] =	vst v63  }
0x26: {  	s25 =	ssub.s32 $0x0, s25;
	_ =	swait.ge [sflag:s14], $0x340  }
0x27: {  	s24 =	sand.u32 $0xAF, s25;
	[sflag:s14] =	ssyncset.done $0x0  }
0x28: {  	s24 =	sshll.u32 s24, $0x4;
	[sflag:s14] =	ssyncadd.s32 $0xFFFFFCC0  }
0x29: {  	v0 =	vld [tilespmem:s24+$0x14500]  }
0x2a: {  	s30 =	simm.s32 $0x1;
	v1 =	vld [tilespmem:s26+$0x0]  }
0x2b: {  	s24 =	smul.u32 $0x4F, s30;
	_ =	sdelay $0x1  }
0x2c: {  	s24 =	sshrl.u32 s24, $0xA  }
0x2d: {  	s24 =	sand.u32 $0x3F, s24  }
0x2e: {  	s24 =	smul.u32 $0xD, s24;
	v0 =	vadd.s32 v1, v0;
	_ =	sdelay $0x1  }
0x2f: {  	s31 =	ssub.s32 $0x1, s24  }
0x30: {  	s25 =	sand.u32 $0xAF, s31  }
0x31: {  	s24 =	simm.s32 $0x680;
	s25 =	sshll.u32 s25, $0x4  }
0x32: {  	[tilespmem:s24], [sflag:$0x1] =	stream.indirect_vreg.gather [hbm4b:s5+s2], $0x20, v0, vm0, $0xb8;
	[tilespmem:$0x145D0] =	vst v63  }
0x33: {  	v0 =	vld [tilespmem:s25+$0x14500];
	s25 =	simm.s32 $0x10  }
0x34: {  	s26 =	simm.s32 $0x2;
	v1 =	vld [tilespmem:s25+$0x0]  }
0x35: {  	s28 =	smul.u32 $0x4F, s26;
	_ =	sdelay $0x1  }
0x36: {  	s29 =	sshrl.u32 s28, $0xA;
	s28 =	simm.s32 $0x3  }
.LBB2_3:
0x37: {  	p0 =	sne.s32 s28, $0x67;
	s29 =	sand.u32 $0x3F, s29  }
0x38: {  	s29 =	smul.u32 $0xD, s29;
	v0 =	vadd.s32 v1, v0;
	_ =	sdelay $0x1  }
0x39: {  	s29 =	ssub.s32 s26, s29;
	s26 =	smov.u32 s28  }
0x3a: {  	s29 =	sand.u32 $0xAF, s29  }
0x3b: {  	s24 =	sadd.s32 $0x200, s24;
	s29 =	sshll.u32 s29, $0x4  }
0x3c: {  	[tilespmem:s24], [sflag:$0x1] =	stream.indirect_vreg.gather [hbm4b:s5+s2], $0x20, v0, vm0, $0xb8;
	[tilespmem:$0x145D0] =	vst v63  }
.Ltmp0:
0x3d: {  	s25 =	sadd.s32 $0x10, s25;
	v0 =	vld [tilespmem:s29+$0x14500];
	(pc) =	sbr.rel @p0 .LBB2_3-.Ltmp0, $3  }
0x3e: {  	v1 =	vld [tilespmem:s25+$0x0]  }
0x3f: {  	s29 =	smul.u32 $0x4F, s28;
	_ =	sdelay $0x1  }
0x40: {  	s28 =	sadd.s32 $0x1, s28;
	s29 =	sshrl.u32 s29, $0xA  }
0x41: {  	s28 =	sand.u32 $0x3F, s29  }
0x42: {  	s28 =	smul.u32 $0xD, s28;
	v0 =	vadd.s32 v1, v0;
	_ =	sdelay $0x1  }
0x43: {  	s26 =	ssub.s32 s26, s28  }
0x44: {  	s26 =	sand.u32 $0xAF, s26  }
0x45: {  	s24 =	sadd.s32 $0x200, s24;
	s26 =	sshll.u32 s26, $0x4  }
0x46: {  	[tilespmem:s24], [sflag:$0x1] =	stream.indirect_vreg.gather [hbm4b:s5+s2], $0x20, v0, vm0, $0xb8;
	[tilespmem:$0x145D0] =	vst v63  }
0x47: {  	s25 =	sadd.s32 $0x10, s25;
	v0 =	vld [tilespmem:s26+$0x14500]  }
0x48: {  	v1 =	vld [tilespmem:s25+$0x0];
	_ =	sdelay $0x4  }
0x49: {  	s28 =	simm.s32 $0x0;
	v0 =	vadd.s32 v1, v0  }
0x4a: {  	v1 =	vmov s28;
	_ =	sdelay $0x2  }
0x4b: {  	s24 =	sadd.s32 $0x200, s24  }
0x4c: {  	[tilespmem:s24], [sflag:$0x1] =	stream.indirect_vreg.gather [hbm4b:s5+s2], $0x20, v0, vm0, $0xb8;
	[tilespmem:$0x145D0] =	vst v63  }
0x4d: {  	v0 =	vld.idx.msk [tilespmem:v1+s17+$0x0], $0xffff  }
0x4e: {  	v1 =	vld [tilespmem:$0x141C0];
	_ =	sdelay $0x1  }
0x4f: {  	v2 =	vld [tilespmem:$0x14360];
	_ =	sdelay $0x2  }
0x50: {  	v1 =	vmul.f32 v1, v0;
	_ =	sdelay $0x1  }
0x51: {  	v1 =	vadd.f32 v2, v1  }
0x52: {  	s24 =	simm.s32 $0xD750  }
0x53: {  	[tilespmem:s24+$0xFFFFFF30] =	vst v1  }
0x54: {  	v1 =	vld [tilespmem:$0x141D0];
	_ =	sdelay $0x1  }
0x55: {  	v2 =	vld [tilespmem:$0x14370];
	_ =	sdelay $0x1  }
0x56: {  	s29 =	simm.s32 $0x1  }
0x57: {  	v0 =	vmul.f32 v1, v0;
	v1 =	vmov s29;
	_ =	sdelay $0x1  }
0x58: {  	v0 =	vadd.f32 v2, v0;
	_ =	sdelay $0x1  }
0x59: {  	[tilespmem:s24+$0xFFFFFF40] =	vst v0  }
0x5a: {  	v0 =	vld.idx.msk [tilespmem:v1+s17+$0x0], $0xffff  }
0x5b: {  	v1 =	vld [tilespmem:$0x141E0];
	_ =	sdelay $0x1  }
0x5c: {  	v2 =	vld [tilespmem:$0x14380];
	_ =	sdelay $0x2  }
0x5d: {  	v1 =	vmul.f32 v1, v0;
	_ =	sdelay $0x1  }
0x5e: {  	v1 =	vadd.f32 v2, v1;
	_ =	sdelay $0x1  }
0x5f: {  	[tilespmem:s24+$0xFFFFFF50] =	vst v1  }
0x60: {  	v1 =	vld [tilespmem:$0x141F0];
	_ =	sdelay $0x1  }
0x61: {  	v2 =	vld [tilespmem:$0x14390];
	_ =	sdelay $0x1  }
0x62: {  	s30 =	simm.s32 $0x2  }
0x63: {  	v0 =	vmul.f32 v1, v0;
	v1 =	vmov s30;
	_ =	sdelay $0x1  }
0x64: {  	v0 =	vadd.f32 v2, v0;
	_ =	sdelay $0x1  }
0x65: {  	[tilespmem:s24+$0xFFFFFF60] =	vst v0  }
0x66: {  	v0 =	vld.idx.msk [tilespmem:v1+s17+$0x0], $0xffff  }
0x67: {  	v1 =	vld [tilespmem:$0x14200];
	_ =	sdelay $0x1  }
0x68: {  	v2 =	vld [tilespmem:$0x143A0];
	_ =	sdelay $0x2  }
0x69: {  	v1 =	vmul.f32 v1, v0;
	_ =	sdelay $0x1  }
0x6a: {  	v1 =	vadd.f32 v2, v1;
	_ =	sdelay $0x1  }
0x6b: {  	[tilespmem:s24+$0xFFFFFF70] =	vst v1  }
0x6c: {  	v1 =	vld [tilespmem:$0x14210];
	_ =	sdelay $0x1  }
0x6d: {  	v2 =	vld [tilespmem:$0x143B0];
	_ =	sdelay $0x1  }
0x6e: {  	s31 =	simm.s32 $0x3  }
0x6f: {  	v0 =	vmul.f32 v1, v0;
	v1 =	vmov s31;
	_ =	sdelay $0x1  }
0x70: {  	v0 =	vadd.f32 v2, v0;
	_ =	sdelay $0x1  }
0x71: {  	[tilespmem:s24+$0xFFFFFF80] =	vst v0  }
0x72: {  	v0 =	vld.idx.msk [tilespmem:v1+s17+$0x0], $0xffff  }
0x73: {  	v1 =	vld [tilespmem:$0x14220];
	_ =	sdelay $0x1  }
0x74: {  	v2 =	vld [tilespmem:$0x143C0];
	_ =	sdelay $0x2  }
0x75: {  	v1 =	vmul.f32 v1, v0;
	_ =	sdelay $0x1  }
0x76: {  	v1 =	vadd.f32 v2, v1;
	_ =	sdelay $0x1  }
0x77: {  	[tilespmem:s24+$0xFFFFFF90] =	vst v1  }
0x78: {  	v1 =	vld [tilespmem:$0x14230];
	_ =	sdelay $0x1  }
0x79: {  	v2 =	vld [tilespmem:$0x143D0];
	_ =	sdelay $0x1  }
0x7a: {  	s26 =	simm.s32 $0x4  }
0x7b: {  	v0 =	vmul.f32 v1, v0;
	v1 =	vmov s26;
	_ =	sdelay $0x1  }
0x7c: {  	v0 =	vadd.f32 v2, v0;
	_ =	sdelay $0x1  }
0x7d: {  	[tilespmem:s24+$0xFFFFFFA0] =	vst v0  }
0x7e: {  	v0 =	vld.idx.msk [tilespmem:v1+s17+$0x0], $0xffff  }
0x7f: {  	v1 =	vld [tilespmem:$0x14240];
	_ =	sdelay $0x1  }
0x80: {  	v2 =	vld [tilespmem:$0x143E0];
	_ =	sdelay $0x2  }
0x81: {  	v1 =	vmul.f32 v1, v0;
	_ =	sdelay $0x1  }
0x82: {  	v1 =	vadd.f32 v2, v1;
	_ =	sdelay $0x1  }
0x83: {  	[tilespmem:s24+$0xFFFFFFB0] =	vst v1  }
0x84: {  	v1 =	vld [tilespmem:$0x14250];
	_ =	sdelay $0x1  }
0x85: {  	v2 =	vld [tilespmem:$0x143F0];
	_ =	sdelay $0x1  }
0x86: {  	s28 =	simm.s32 $0x5  }
0x87: {  	v0 =	vmul.f32 v1, v0;
	v1 =	vmov s28;
	_ =	sdelay $0x1  }
0x88: {  	v0 =	vadd.f32 v2, v0;
	_ =	sdelay $0x1  }
0x89: {  	[tilespmem:s24+$0xFFFFFFC0] =	vst v0  }
0x8a: {  	v0 =	vld.idx.msk [tilespmem:v1+s17+$0x0], $0xffff  }
0x8b: {  	v1 =	vld [tilespmem:$0x14260];
	_ =	sdelay $0x1  }
0x8c: {  	v2 =	vld [tilespmem:$0x14400];
	_ =	sdelay $0x2  }
0x8d: {  	v1 =	vmul.f32 v1, v0;
	_ =	sdelay $0x1  }
0x8e: {  	v1 =	vadd.f32 v2, v1;
	_ =	sdelay $0x1  }
0x8f: {  	[tilespmem:s24+$0xFFFFFFD0] =	vst v1  }
0x90: {  	v1 =	vld [tilespmem:$0x14270];
	_ =	sdelay $0x1  }
0x91: {  	v2 =	vld [tilespmem:$0x14410];
	_ =	sdelay $0x1  }
0x92: {  	s29 =	simm.s32 $0x6  }
0x93: {  	v0 =	vmul.f32 v1, v0;
	v1 =	vmov s29;
	_ =	sdelay $0x1  }
0x94: {  	v0 =	vadd.f32 v2, v0;
	_ =	sdelay $0x1  }
0x95: {  	[tilespmem:s24+$0xFFFFFFE0] =	vst v0  }
0x96: {  	v0 =	vld.idx.msk [tilespmem:v1+s17+$0x0], $0xffff  }
0x97: {  	v1 =	vld [tilespmem:$0x14280];
	_ =	sdelay $0x1  }
0x98: {  	v2 =	vld [tilespmem:$0x14420];
	_ =	sdelay $0x2  }
0x99: {  	v1 =	vmul.f32 v1, v0;
	_ =	sdelay $0x1  }
0x9a: {  	v1 =	vadd.f32 v2, v1;
	_ =	sdelay $0x1  }
0x9b: {  	[tilespmem:s24+$0xFFFFFFF0] =	vst v1  }
0x9c: {  	v1 =	vld [tilespmem:$0x14290];
	_ =	sdelay $0x1  }
0x9d: {  	v2 =	vld [tilespmem:$0x14430];
	_ =	sdelay $0x1  }
0x9e: {  	s30 =	simm.s32 $0x7  }
0x9f: {  	v0 =	vmul.f32 v1, v0;
	v1 =	vmov s30;
	_ =	sdelay $0x1  }
0xa0: {  	v0 =	vadd.f32 v2, v0;
	_ =	sdelay $0x1  }
0xa1: {  	[tilespmem:s24+$0x0] =	vst v0  }
0xa2: {  	v0 =	vld.idx.msk [tilespmem:v1+s17+$0x0], $0xffff  }
0xa3: {  	v1 =	vld [tilespmem:$0x142A0];
	_ =	sdelay $0x1  }
0xa4: {  	v2 =	vld [tilespmem:$0x14440];
	_ =	sdelay $0x2  }
0xa5: {  	v1 =	vmul.f32 v1, v0;
	_ =	sdelay $0x1  }
0xa6: {  	v1 =	vadd.f32 v2, v1;
	_ =	sdelay $0x1  }
0xa7: {  	[tilespmem:s24+$0x10] =	vst v1  }
0xa8: {  	v1 =	vld [tilespmem:$0x142B0];
	_ =	sdelay $0x1  }
0xa9: {  	v2 =	vld [tilespmem:$0x14450];
	_ =	sdelay $0x1  }
0xaa: {  	s31 =	simm.s32 $0x8  }
0xab: {  	v0 =	vmul.f32 v1, v0;
	v1 =	vmov s31;
	_ =	sdelay $0x1  }
0xac: {  	v0 =	vadd.f32 v2, v0;
	_ =	sdelay $0x1  }
0xad: {  	[tilespmem:s24+$0x20] =	vst v0  }
0xae: {  	v0 =	vld.idx.msk [tilespmem:v1+s17+$0x0], $0xffff  }
0xaf: {  	v1 =	vld [tilespmem:$0x142C0];
	_ =	sdelay $0x1  }
0xb0: {  	v2 =	vld [tilespmem:$0x14460];
	_ =	sdelay $0x2  }
0xb1: {  	v1 =	vmul.f32 v1, v0;
	_ =	sdelay $0x1  }
0xb2: {  	v1 =	vadd.f32 v2, v1;
	_ =	sdelay $0x1  }
0xb3: {  	[tilespmem:s24+$0x30] =	vst v1  }
0xb4: {  	v1 =	vld [tilespmem:$0x142D0];
	_ =	sdelay $0x1  }
0xb5: {  	v2 =	vld [tilespmem:$0x14470];
	_ =	sdelay $0x1  }
0xb6: {  	s26 =	simm.s32 $0x9  }
0xb7: {  	v0 =	vmul.f32 v1, v0;
	v1 =	vmov s26;
	_ =	sdelay $0x1  }
0xb8: {  	v0 =	vadd.f32 v2, v0;
	_ =	sdelay $0x1  }
0xb9: {  	[tilespmem:s24+$0x40] =	vst v0  }
0xba: {  	v0 =	vld.idx.msk [tilespmem:v1+s17+$0x0], $0xffff  }
0xbb: {  	v1 =	vld [tilespmem:$0x142E0];
	_ =	sdelay $0x1  }
0xbc: {  	v2 =	vld [tilespmem:$0x14480];
	_ =	sdelay $0x2  }
0xbd: {  	v1 =	vmul.f32 v1, v0;
	_ =	sdelay $0x1  }
0xbe: {  	v1 =	vadd.f32 v2, v1;
	_ =	sdelay $0x1  }
0xbf: {  	[tilespmem:s24+$0x50] =	vst v1  }
0xc0: {  	v1 =	vld [tilespmem:$0x142F0];
	_ =	sdelay $0x1  }
0xc1: {  	v2 =	vld [tilespmem:$0x14490];
	_ =	sdelay $0x1  }
0xc2: {  	s28 =	simm.s32 $0xA  }
0xc3: {  	v0 =	vmul.f32 v1, v0;
	v1 =	vmov s28;
	_ =	sdelay $0x1  }
0xc4: {  	v0 =	vadd.f32 v2, v0;
	_ =	sdelay $0x1  }
0xc5: {  	[tilespmem:s24+$0x60] =	vst v0  }
0xc6: {  	v0 =	vld.idx.msk [tilespmem:v1+s17+$0x0], $0xffff  }
0xc7: {  	v1 =	vld [tilespmem:$0x14300];
	_ =	sdelay $0x1  }
0xc8: {  	v2 =	vld [tilespmem:$0x144A0];
	_ =	sdelay $0x2  }
0xc9: {  	v1 =	vmul.f32 v1, v0;
	_ =	sdelay $0x1  }
0xca: {  	v1 =	vadd.f32 v2, v1;
	_ =	sdelay $0x1  }
0xcb: {  	[tilespmem:s24+$0x70] =	vst v1  }
0xcc: {  	v1 =	vld [tilespmem:$0x14310];
	_ =	sdelay $0x1  }
0xcd: {  	v2 =	vld [tilespmem:$0x144B0];
	_ =	sdelay $0x1  }
0xce: {  	s29 =	simm.s32 $0xB  }
0xcf: {  	v0 =	vmul.f32 v1, v0;
	v1 =	vmov s29;
	_ =	sdelay $0x1  }
0xd0: {  	v0 =	vadd.f32 v2, v0;
	_ =	sdelay $0x1  }
0xd1: {  	[tilespmem:s24+$0x80] =	vst v0  }
0xd2: {  	v0 =	vld.idx.msk [tilespmem:v1+s17+$0x0], $0xffff  }
0xd3: {  	v1 =	vld [tilespmem:$0x14320];
	_ =	sdelay $0x1  }
0xd4: {  	v2 =	vld [tilespmem:$0x144C0];
	_ =	sdelay $0x2  }
0xd5: {  	v1 =	vmul.f32 v1, v0;
	_ =	sdelay $0x1  }
0xd6: {  	v1 =	vadd.f32 v2, v1;
	_ =	sdelay $0x1  }
0xd7: {  	[tilespmem:s24+$0x90] =	vst v1  }
0xd8: {  	v1 =	vld [tilespmem:$0x14330];
	_ =	sdelay $0x1  }
0xd9: {  	v2 =	vld [tilespmem:$0x144D0];
	_ =	sdelay $0x1  }
0xda: {  	s30 =	simm.s32 $0xC  }
0xdb: {  	v0 =	vmul.f32 v1, v0;
	v1 =	vmov s30;
	_ =	sdelay $0x1  }
0xdc: {  	v0 =	vadd.f32 v2, v0;
	_ =	sdelay $0x1  }
0xdd: {  	[tilespmem:s24+$0xA0] =	vst v0  }
0xde: {  	v0 =	vld.idx.msk [tilespmem:v1+s17+$0x0], $0xffff  }
0xdf: {  	v1 =	vld [tilespmem:$0x14340];
	_ =	sdelay $0x1  }
0xe0: {  	v2 =	vld [tilespmem:$0x144E0];
	_ =	sdelay $0x2  }
0xe1: {  	v1 =	vmul.f32 v1, v0;
	_ =	sdelay $0x1  }
0xe2: {  	v1 =	vadd.f32 v2, v1;
	_ =	sdelay $0x1  }
0xe3: {  	[tilespmem:s24+$0xB0] =	vst v1  }
0xe4: {  	v1 =	vld [tilespmem:$0x14350];
	_ =	sdelay $0x1  }
0xe5: {  	v2 =	vld [tilespmem:$0x144F0];
	_ =	sdelay $0x1  }
0xe6: {  	s31 =	simm.s32 $0xD  }
0xe7: {  	v1 =	vmul.f32 v1, v0;
	v0 =	vmov s31;
	_ =	sdelay $0x1  }
0xe8: {  	s25 =	simm.s32 $0x19;
	s26 =	simm.s32 $0x26;
	v1 =	vadd.f32 v2, v1  }
.LBB2_5:
0xe9: {  	p0 =	sne.s32 s26, $0x33F  }
0xea: {  	s28 =	smov.u32 s26;
	s26 =	sadd.s32 $0xD, s26;
	[tilespmem:s24+$0xC0] =	vst v1;
	s24 =	sadd.s32 $0x1A0, s24  }
0xeb: {  	v0 =	vld.idx.msk [tilespmem:v0+s17+$0x0], $0xffff  }
0xec: {  	v1 =	vld [tilespmem:$0x141C0];
	_ =	sdelay $0x1  }
0xed: {  	v2 =	vld [tilespmem:$0x14360];
	_ =	sdelay $0x2  }
0xee: {  	v1 =	vmul.f32 v1, v0;
	_ =	sdelay $0x1  }
0xef: {  	v1 =	vadd.f32 v2, v1;
	_ =	sdelay $0x1  }
0xf0: {  	[tilespmem:s24+$0xFFFFFF30] =	vst v1  }
0xf1: {  	v1 =	vld [tilespmem:$0x141D0];
	_ =	sdelay $0x1  }
0xf2: {  	v2 =	vld [tilespmem:$0x14370];
	_ =	sdelay $0x1  }
0xf3: {  	s29 =	sadd.s32 $0xFFFFFFF5, s25  }
0xf4: {  	v0 =	vmul.f32 v1, v0;
	v1 =	vmov s29;
	_ =	sdelay $0x1  }
0xf5: {  	v0 =	vadd.f32 v2, v0;
	_ =	sdelay $0x1  }
0xf6: {  	[tilespmem:s24+$0xFFFFFF40] =	vst v0  }
0xf7: {  	v0 =	vld.idx.msk [tilespmem:v1+s17+$0x0], $0xffff  }
0xf8: {  	v1 =	vld [tilespmem:$0x141E0];
	_ =	sdelay $0x1  }
0xf9: {  	v2 =	vld [tilespmem:$0x14380];
	_ =	sdelay $0x2  }
0xfa: {  	v1 =	vmul.f32 v1, v0;
	_ =	sdelay $0x1  }
0xfb: {  	v1 =	vadd.f32 v2, v1;
	_ =	sdelay $0x1  }
0xfc: {  	[tilespmem:s24+$0xFFFFFF50] =	vst v1  }
0xfd: {  	v1 =	vld [tilespmem:$0x141F0];
	_ =	sdelay $0x1  }
0xfe: {  	v2 =	vld [tilespmem:$0x14390];
	_ =	sdelay $0x1  }
0xff: {  	s29 =	sadd.s32 $0xFFFFFFF6, s25  }
0x100: {  	v0 =	vmul.f32 v1, v0;
	v1 =	vmov s29;
	_ =	sdelay $0x1  }
0x101: {  	v0 =	vadd.f32 v2, v0;
	_ =	sdelay $0x1  }
0x102: {  	[tilespmem:s24+$0xFFFFFF60] =	vst v0  }
0x103: {  	v0 =	vld.idx.msk [tilespmem:v1+s17+$0x0], $0xffff  }
0x104: {  	v1 =	vld [tilespmem:$0x14200];
	_ =	sdelay $0x1  }
0x105: {  	v2 =	vld [tilespmem:$0x143A0];
	_ =	sdelay $0x2  }
0x106: {  	v1 =	vmul.f32 v1, v0;
	_ =	sdelay $0x1  }
0x107: {  	v1 =	vadd.f32 v2, v1;
	_ =	sdelay $0x1  }
0x108: {  	[tilespmem:s24+$0xFFFFFF70] =	vst v1  }
0x109: {  	v1 =	vld [tilespmem:$0x14210];
	_ =	sdelay $0x1  }
0x10a: {  	v2 =	vld [tilespmem:$0x143B0];
	_ =	sdelay $0x1  }
0x10b: {  	s29 =	sadd.s32 $0xFFFFFFF7, s25  }
0x10c: {  	v0 =	vmul.f32 v1, v0;
	v1 =	vmov s29;
	_ =	sdelay $0x1  }
0x10d: {  	v0 =	vadd.f32 v2, v0;
	_ =	sdelay $0x1  }
0x10e: {  	[tilespmem:s24+$0xFFFFFF80] =	vst v0  }
0x10f: {  	v0 =	vld.idx.msk [tilespmem:v1+s17+$0x0], $0xffff  }
0x110: {  	v1 =	vld [tilespmem:$0x14220];
	_ =	sdelay $0x1  }
0x111: {  	v2 =	vld [tilespmem:$0x143C0];
	_ =	sdelay $0x2  }
0x112: {  	v1 =	vmul.f32 v1, v0;
	_ =	sdelay $0x1  }
0x113: {  	v1 =	vadd.f32 v2, v1;
	_ =	sdelay $0x1  }
0x114: {  	[tilespmem:s24+$0xFFFFFF90] =	vst v1  }
0x115: {  	v1 =	vld [tilespmem:$0x14230];
	_ =	sdelay $0x1  }
0x116: {  	v2 =	vld [tilespmem:$0x143D0];
	_ =	sdelay $0x1  }
0x117: {  	s29 =	sadd.s32 $0xFFFFFFF8, s25  }
0x118: {  	v0 =	vmul.f32 v1, v0;
	v1 =	vmov s29;
	_ =	sdelay $0x1  }
0x119: {  	v0 =	vadd.f32 v2, v0;
	_ =	sdelay $0x1  }
0x11a: {  	[tilespmem:s24+$0xFFFFFFA0] =	vst v0  }
0x11b: {  	v0 =	vld.idx.msk [tilespmem:v1+s17+$0x0], $0xffff  }
0x11c: {  	v1 =	vld [tilespmem:$0x14240];
	_ =	sdelay $0x1  }
0x11d: {  	v2 =	vld [tilespmem:$0x143E0];
	_ =	sdelay $0x2  }
0x11e: {  	v1 =	vmul.f32 v1, v0;
	_ =	sdelay $0x1  }
0x11f: {  	v1 =	vadd.f32 v2, v1;
	_ =	sdelay $0x1  }
0x120: {  	[tilespmem:s24+$0xFFFFFFB0] =	vst v1  }
0x121: {  	v1 =	vld [tilespmem:$0x14250];
	_ =	sdelay $0x1  }
0x122: {  	v2 =	vld [tilespmem:$0x143F0];
	_ =	sdelay $0x1  }
0x123: {  	s29 =	sadd.s32 $0xFFFFFFF9, s25  }
0x124: {  	v0 =	vmul.f32 v1, v0;
	v1 =	vmov s29;
	_ =	sdelay $0x1  }
0x125: {  	v0 =	vadd.f32 v2, v0;
	_ =	sdelay $0x1  }
0x126: {  	[tilespmem:s24+$0xFFFFFFC0] =	vst v0  }
0x127: {  	v0 =	vld.idx.msk [tilespmem:v1+s17+$0x0], $0xffff  }
0x128: {  	v1 =	vld [tilespmem:$0x14260];
	_ =	sdelay $0x1  }
0x129: {  	v2 =	vld [tilespmem:$0x14400];
	_ =	sdelay $0x2  }
0x12a: {  	v1 =	vmul.f32 v1, v0;
	_ =	sdelay $0x1  }
0x12b: {  	v1 =	vadd.f32 v2, v1;
	_ =	sdelay $0x1  }
0x12c: {  	[tilespmem:s24+$0xFFFFFFD0] =	vst v1  }
0x12d: {  	v1 =	vld [tilespmem:$0x14270];
	_ =	sdelay $0x1  }
0x12e: {  	v2 =	vld [tilespmem:$0x14410];
	_ =	sdelay $0x1  }
0x12f: {  	s29 =	sadd.s32 $0xFFFFFFFA, s25  }
0x130: {  	v0 =	vmul.f32 v1, v0;
	v1 =	vmov s29;
	_ =	sdelay $0x1  }
0x131: {  	v0 =	vadd.f32 v2, v0;
	_ =	sdelay $0x1  }
0x132: {  	[tilespmem:s24+$0xFFFFFFE0] =	vst v0  }
0x133: {  	v0 =	vld.idx.msk [tilespmem:v1+s17+$0x0], $0xffff  }
0x134: {  	v1 =	vld [tilespmem:$0x14280];
	_ =	sdelay $0x1  }
0x135: {  	v2 =	vld [tilespmem:$0x14420];
	_ =	sdelay $0x2  }
0x136: {  	v1 =	vmul.f32 v1, v0;
	_ =	sdelay $0x1  }
0x137: {  	v1 =	vadd.f32 v2, v1;
	_ =	sdelay $0x1  }
0x138: {  	[tilespmem:s24+$0xFFFFFFF0] =	vst v1  }
0x139: {  	v1 =	vld [tilespmem:$0x14290];
	_ =	sdelay $0x1  }
0x13a: {  	v2 =	vld [tilespmem:$0x14430];
	_ =	sdelay $0x1  }
0x13b: {  	s29 =	sadd.s32 $0xFFFFFFFB, s25  }
0x13c: {  	v0 =	vmul.f32 v1, v0;
	v1 =	vmov s29;
	_ =	sdelay $0x1  }
0x13d: {  	v0 =	vadd.f32 v2, v0;
	_ =	sdelay $0x1  }
0x13e: {  	[tilespmem:s24+$0x0] =	vst v0  }
0x13f: {  	v0 =	vld.idx.msk [tilespmem:v1+s17+$0x0], $0xffff  }
0x140: {  	v1 =	vld [tilespmem:$0x142A0]  }
0x141: {  	v2 =	vld [tilespmem:$0x14440];
	_ =	sdelay $0x3  }
0x142: {  	v1 =	vmul.f32 v1, v0;
	_ =	sdelay $0x1  }
0x143: {  	v1 =	vadd.f32 v2, v1;
	_ =	sdelay $0x1  }
0x144: {  	[tilespmem:s24+$0x10] =	vst v1  }
0x145: {  	v1 =	vld [tilespmem:$0x142B0]  }
0x146: {  	v2 =	vld [tilespmem:$0x14450];
	_ =	sdelay $0x2  }
0x147: {  	s29 =	sadd.s32 $0xFFFFFFFC, s25  }
0x148: {  	v0 =	vmul.f32 v1, v0;
	v1 =	vmov s29;
	_ =	sdelay $0x1  }
0x149: {  	v0 =	vadd.f32 v2, v0;
	_ =	sdelay $0x1  }
0x14a: {  	[tilespmem:s24+$0x20] =	vst v0  }
0x14b: {  	v0 =	vld.idx.msk [tilespmem:v1+s17+$0x0], $0xffff  }
0x14c: {  	v1 =	vld [tilespmem:$0x142C0]  }
0x14d: {  	v2 =	vld [tilespmem:$0x14460];
	_ =	sdelay $0x3  }
0x14e: {  	v1 =	vmul.f32 v1, v0;
	_ =	sdelay $0x1  }
0x14f: {  	v1 =	vadd.f32 v2, v1;
	_ =	sdelay $0x1  }
0x150: {  	[tilespmem:s24+$0x30] =	vst v1  }
0x151: {  	v1 =	vld [tilespmem:$0x142D0]  }
0x152: {  	v2 =	vld [tilespmem:$0x14470];
	_ =	sdelay $0x2  }
0x153: {  	s29 =	sadd.s32 $0xFFFFFFFD, s25  }
0x154: {  	v0 =	vmul.f32 v1, v0;
	v1 =	vmov s29;
	_ =	sdelay $0x1  }
0x155: {  	v0 =	vadd.f32 v2, v0;
	_ =	sdelay $0x1  }
0x156: {  	[tilespmem:s24+$0x40] =	vst v0  }
0x157: {  	v0 =	vld.idx.msk [tilespmem:v1+s17+$0x0], $0xffff  }
0x158: {  	v1 =	vld [tilespmem:$0x142E0]  }
0x159: {  	v2 =	vld [tilespmem:$0x14480];
	_ =	sdelay $0x3  }
0x15a: {  	v1 =	vmul.f32 v1, v0;
	_ =	sdelay $0x1  }
0x15b: {  	v1 =	vadd.f32 v2, v1;
	_ =	sdelay $0x1  }
0x15c: {  	[tilespmem:s24+$0x50] =	vst v1  }
0x15d: {  	v1 =	vld [tilespmem:$0x142F0]  }
0x15e: {  	v2 =	vld [tilespmem:$0x14490];
	_ =	sdelay $0x2  }
0x15f: {  	s29 =	sadd.s32 $0xFFFFFFFE, s25  }
0x160: {  	v0 =	vmul.f32 v1, v0;
	v1 =	vmov s29;
	_ =	sdelay $0x1  }
0x161: {  	v0 =	vadd.f32 v2, v0;
	_ =	sdelay $0x1  }
0x162: {  	[tilespmem:s24+$0x60] =	vst v0  }
0x163: {  	v0 =	vld.idx.msk [tilespmem:v1+s17+$0x0], $0xffff  }
0x164: {  	v1 =	vld [tilespmem:$0x14300]  }
0x165: {  	v2 =	vld [tilespmem:$0x144A0];
	_ =	sdelay $0x3  }
0x166: {  	v1 =	vmul.f32 v1, v0;
	_ =	sdelay $0x1  }
0x167: {  	v1 =	vadd.f32 v2, v1;
	_ =	sdelay $0x1  }
0x168: {  	[tilespmem:s24+$0x70] =	vst v1  }
0x169: {  	v1 =	vld [tilespmem:$0x14310]  }
0x16a: {  	v2 =	vld [tilespmem:$0x144B0];
	_ =	sdelay $0x2  }
0x16b: {  	s29 =	sadd.s32 $0xFFFFFFFF, s25  }
0x16c: {  	v0 =	vmul.f32 v1, v0;
	v1 =	vmov s29;
	_ =	sdelay $0x1  }
0x16d: {  	v0 =	vadd.f32 v2, v0;
	_ =	sdelay $0x1  }
0x16e: {  	[tilespmem:s24+$0x80] =	vst v0  }
0x16f: {  	v0 =	vld.idx.msk [tilespmem:v1+s17+$0x0], $0xffff  }
0x170: {  	v1 =	vld [tilespmem:$0x14320]  }
0x171: {  	v2 =	vld [tilespmem:$0x144C0];
	_ =	sdelay $0x3  }
0x172: {  	v1 =	vmul.f32 v1, v0;
	_ =	sdelay $0x1  }
0x173: {  	v1 =	vadd.f32 v2, v1;
	_ =	sdelay $0x1  }
0x174: {  	[tilespmem:s24+$0x90] =	vst v1  }
0x175: {  	v1 =	vld [tilespmem:$0x14330]  }
0x176: {  	v2 =	vld [tilespmem:$0x144D0];
	_ =	sdelay $0x3  }
0x177: {  	v0 =	vmul.f32 v1, v0;
	v1 =	vmov s25;
	s25 =	smov.u32 s28;
	_ =	sdelay $0x1  }
0x178: {  	v0 =	vadd.f32 v2, v0;
	_ =	sdelay $0x1  }
0x179: {  	[tilespmem:s24+$0xA0] =	vst v0  }
0x17a: {  	v1 =	vld.idx.msk [tilespmem:v1+s17+$0x0], $0xffff  }
0x17b: {  	v0 =	vld [tilespmem:$0x14340]  }
0x17c: {  	v2 =	vld [tilespmem:$0x144E0];
	_ =	sdelay $0x3  }
0x17d: {  	v0 =	vmul.f32 v0, v1;
	_ =	sdelay $0x1  }
0x17e: {  	v0 =	vadd.f32 v2, v0;
	_ =	sdelay $0x1  }
0x17f: {  	[tilespmem:s24+$0xB0] =	vst v0  }
0x180: {  	v2 =	vld [tilespmem:$0x14350]  }
0x181: {  	v3 =	vld [tilespmem:$0x144F0];
	_ =	sdelay $0x1  }
.Ltmp1:
0x182: {  	(pc) =	sbr.rel @p0 .LBB2_5-.Ltmp1, $3  }
0x183: {  	s28 =	sadd.s32 $0xFFFFFFF4, s25  }
0x184: {  	v0 =	vmov s28;
	v1 =	vmul.f32 v2, v1;
	_ =	sdelay $0x1  }
0x185: {  	v1 =	vadd.f32 v3, v1  }
0x186: {  	_ =	sdelay $0x2  }
0x187: {  	[tilespmem:s24+$0xC0] =	vst v1  }
0x188: {  	v0 =	vld.idx.msk [tilespmem:v0+s17+$0x0], $0xffff  }
0x189: {  	v1 =	vld [tilespmem:$0x141C0];
	_ =	sdelay $0x1  }
0x18a: {  	v2 =	vld [tilespmem:$0x14360];
	_ =	sdelay $0x2  }
0x18b: {  	v1 =	vmul.f32 v1, v0;
	_ =	sdelay $0x1  }
0x18c: {  	v1 =	vadd.f32 v2, v1  }
0x18d: {  	s24 =	sadd.s32 $0x1A0, s24  }
0x18e: {  	[tilespmem:s24+$0xFFFFFF30] =	vst v1  }
0x18f: {  	v1 =	vld [tilespmem:$0x141D0];
	_ =	sdelay $0x1  }
0x190: {  	v15 =	vld [tilespmem:$0x14370];
	_ =	sdelay $0x1  }
0x191: {  	s26 =	sadd.s32 $0xFFFFFFF5, s25  }
0x192: {  	v16 =	vmov s26;
	v0 =	vmul.f32 v1, v0;
	_ =	sdelay $0x1  }
0x193: {  	v0 =	vadd.f32 v15, v0;
	_ =	sdelay $0x1  }
0x194: {  	[tilespmem:s24+$0xFFFFFF40] =	vst v0  }
0x195: {  	v0 =	vld.idx.msk [tilespmem:v16+s17+$0x0], $0xffff  }
0x196: {  	v17 =	vld [tilespmem:$0x141E0];
	_ =	sdelay $0x1  }
0x197: {  	v18 =	vld [tilespmem:$0x14380];
	_ =	sdelay $0x2  }
0x198: {  	v1 =	vmul.f32 v17, v0;
	_ =	sdelay $0x1  }
0x199: {  	v1 =	vadd.f32 v18, v1;
	_ =	sdelay $0x1  }
0x19a: {  	[tilespmem:s24+$0xFFFFFF50] =	vst v1  }
0x19b: {  	v1 =	vld [tilespmem:$0x141F0];
	_ =	sdelay $0x1  }
0x19c: {  	v19 =	vld [tilespmem:$0x14390];
	_ =	sdelay $0x1  }
0x19d: {  	s31 =	sadd.s32 $0xFFFFFFF6, s25  }
0x19e: {  	v20 =	vmov s31;
	v0 =	vmul.f32 v1, v0;
	_ =	sdelay $0x1  }
0x19f: {  	v0 =	vadd.f32 v19, v0;
	_ =	sdelay $0x1  }
0x1a0: {  	[tilespmem:s24+$0xFFFFFF60] =	vst v0  }
0x1a1: {  	v0 =	vld.idx.msk [tilespmem:v20+s17+$0x0], $0xffff  }
0x1a2: {  	v21 =	vld [tilespmem:$0x14200];
	_ =	sdelay $0x1  }
0x1a3: {  	v22 =	vld [tilespmem:$0x143A0];
	_ =	sdelay $0x2  }
0x1a4: {  	v1 =	vmul.f32 v21, v0;
	_ =	sdelay $0x1  }
0x1a5: {  	v1 =	vadd.f32 v22, v1;
	_ =	sdelay $0x1  }
0x1a6: {  	[tilespmem:s24+$0xFFFFFF70] =	vst v1  }
0x1a7: {  	v1 =	vld [tilespmem:$0x14210];
	_ =	sdelay $0x1  }
0x1a8: {  	v23 =	vld [tilespmem:$0x143B0];
	_ =	sdelay $0x1  }
0x1a9: {  	s28 =	sadd.s32 $0xFFFFFFF7, s25  }
0x1aa: {  	v24 =	vmov s28;
	v0 =	vmul.f32 v1, v0;
	_ =	sdelay $0x1  }
0x1ab: {  	v0 =	vadd.f32 v23, v0;
	_ =	sdelay $0x1  }
0x1ac: {  	[tilespmem:s24+$0xFFFFFF80] =	vst v0  }
0x1ad: {  	v0 =	vld.idx.msk [tilespmem:v24+s17+$0x0], $0xffff  }
0x1ae: {  	v25 =	vld [tilespmem:$0x14220];
	_ =	sdelay $0x1  }
0x1af: {  	v26 =	vld [tilespmem:$0x143C0];
	_ =	sdelay $0x2  }
0x1b0: {  	v1 =	vmul.f32 v25, v0;
	_ =	sdelay $0x1  }
0x1b1: {  	v1 =	vadd.f32 v26, v1;
	_ =	sdelay $0x1  }
0x1b2: {  	[tilespmem:s24+$0xFFFFFF90] =	vst v1  }
0x1b3: {  	v1 =	vld [tilespmem:$0x14230];
	_ =	sdelay $0x1  }
0x1b4: {  	v27 =	vld [tilespmem:$0x143D0];
	_ =	sdelay $0x1  }
0x1b5: {  	s29 =	sadd.s32 $0xFFFFFFF8, s25  }
0x1b6: {  	v28 =	vmov s29;
	v0 =	vmul.f32 v1, v0;
	_ =	sdelay $0x1  }
0x1b7: {  	v0 =	vadd.f32 v27, v0;
	_ =	sdelay $0x1  }
0x1b8: {  	[tilespmem:s24+$0xFFFFFFA0] =	vst v0  }
0x1b9: {  	v0 =	vld.idx.msk [tilespmem:v28+s17+$0x0], $0xffff  }
0x1ba: {  	v29 =	vld [tilespmem:$0x14240];
	_ =	sdelay $0x1  }
0x1bb: {  	v30 =	vld [tilespmem:$0x143E0];
	_ =	sdelay $0x2  }
0x1bc: {  	v1 =	vmul.f32 v29, v0;
	_ =	sdelay $0x1  }
0x1bd: {  	v1 =	vadd.f32 v30, v1;
	_ =	sdelay $0x1  }
0x1be: {  	[tilespmem:s24+$0xFFFFFFB0] =	vst v1  }
0x1bf: {  	v1 =	vld [tilespmem:$0x14250];
	_ =	sdelay $0x1  }
0x1c0: {  	v31 =	vld [tilespmem:$0x143F0];
	_ =	sdelay $0x1  }
0x1c1: {  	s30 =	sadd.s32 $0xFFFFFFF9, s25  }
0x1c2: {  	v32 =	vmov s30;
	v0 =	vmul.f32 v1, v0;
	_ =	sdelay $0x1  }
0x1c3: {  	v0 =	vadd.f32 v31, v0;
	_ =	sdelay $0x1  }
0x1c4: {  	[tilespmem:s24+$0xFFFFFFC0] =	vst v0  }
0x1c5: {  	v0 =	vld.idx.msk [tilespmem:v32+s17+$0x0], $0xffff  }
0x1c6: {  	v33 =	vld [tilespmem:$0x14260];
	_ =	sdelay $0x1  }
0x1c7: {  	v34 =	vld [tilespmem:$0x14400];
	_ =	sdelay $0x2  }
0x1c8: {  	v1 =	vmul.f32 v33, v0;
	_ =	sdelay $0x1  }
0x1c9: {  	v1 =	vadd.f32 v34, v1;
	_ =	sdelay $0x1  }
0x1ca: {  	[tilespmem:s24+$0xFFFFFFD0] =	vst v1  }
0x1cb: {  	v1 =	vld [tilespmem:$0x14270];
	_ =	sdelay $0x1  }
0x1cc: {  	v35 =	vld [tilespmem:$0x14410];
	_ =	sdelay $0x1  }
0x1cd: {  	s31 =	sadd.s32 $0xFFFFFFFA, s25  }
0x1ce: {  	v36 =	vmov s31;
	v0 =	vmul.f32 v1, v0;
	_ =	sdelay $0x1  }
0x1cf: {  	v0 =	vadd.f32 v35, v0;
	_ =	sdelay $0x1  }
0x1d0: {  	[tilespmem:s24+$0xFFFFFFE0] =	vst v0  }
0x1d1: {  	v0 =	vld.idx.msk [tilespmem:v36+s17+$0x0], $0xffff  }
0x1d2: {  	v37 =	vld [tilespmem:$0x14280];
	_ =	sdelay $0x1  }
0x1d3: {  	v38 =	vld [tilespmem:$0x14420];
	_ =	sdelay $0x2  }
0x1d4: {  	v1 =	vmul.f32 v37, v0;
	_ =	sdelay $0x1  }
0x1d5: {  	v1 =	vadd.f32 v38, v1;
	_ =	sdelay $0x1  }
0x1d6: {  	[tilespmem:s24+$0xFFFFFFF0] =	vst v1  }
0x1d7: {  	v1 =	vld [tilespmem:$0x14290];
	_ =	sdelay $0x1  }
0x1d8: {  	v39 =	vld [tilespmem:$0x14430];
	_ =	sdelay $0x1  }
0x1d9: {  	s28 =	sadd.s32 $0xFFFFFFFB, s25  }
0x1da: {  	v40 =	vmov s28;
	v0 =	vmul.f32 v1, v0;
	_ =	sdelay $0x1  }
0x1db: {  	v0 =	vadd.f32 v39, v0;
	_ =	sdelay $0x1  }
0x1dc: {  	[tilespmem:s24+$0x0] =	vst v0  }
0x1dd: {  	v0 =	vld.idx.msk [tilespmem:v40+s17+$0x0], $0xffff  }
0x1de: {  	v41 =	vld [tilespmem:$0x142A0];
	_ =	sdelay $0x1  }
0x1df: {  	v42 =	vld [tilespmem:$0x14440];
	_ =	sdelay $0x2  }
0x1e0: {  	v1 =	vmul.f32 v41, v0;
	_ =	sdelay $0x1  }
0x1e1: {  	v1 =	vadd.f32 v42, v1;
	_ =	sdelay $0x1  }
0x1e2: {  	[tilespmem:s24+$0x10] =	vst v1  }
0x1e3: {  	v1 =	vld [tilespmem:$0x142B0];
	_ =	sdelay $0x1  }
0x1e4: {  	v43 =	vld [tilespmem:$0x14450];
	_ =	sdelay $0x1  }
0x1e5: {  	s29 =	sadd.s32 $0xFFFFFFFC, s25  }
0x1e6: {  	v44 =	vmov s29;
	v0 =	vmul.f32 v1, v0;
	_ =	sdelay $0x1  }
0x1e7: {  	v0 =	vadd.f32 v43, v0;
	_ =	sdelay $0x1  }
0x1e8: {  	[tilespmem:s24+$0x20] =	vst v0  }
0x1e9: {  	v0 =	vld.idx.msk [tilespmem:v44+s17+$0x0], $0xffff  }
0x1ea: {  	v45 =	vld [tilespmem:$0x142C0];
	_ =	sdelay $0x1  }
0x1eb: {  	v46 =	vld [tilespmem:$0x14460];
	_ =	sdelay $0x2  }
0x1ec: {  	v1 =	vmul.f32 v45, v0;
	_ =	sdelay $0x1  }
0x1ed: {  	v1 =	vadd.f32 v46, v1;
	_ =	sdelay $0x1  }
0x1ee: {  	[tilespmem:s24+$0x30] =	vst v1  }
0x1ef: {  	v1 =	vld [tilespmem:$0x142D0];
	_ =	sdelay $0x1  }
0x1f0: {  	v47 =	vld [tilespmem:$0x14470];
	_ =	sdelay $0x1  }
0x1f1: {  	s30 =	sadd.s32 $0xFFFFFFFD, s25  }
0x1f2: {  	v48 =	vmov s30;
	v0 =	vmul.f32 v1, v0;
	_ =	sdelay $0x1  }
0x1f3: {  	v0 =	vadd.f32 v47, v0;
	_ =	sdelay $0x1  }
0x1f4: {  	[tilespmem:s24+$0x40] =	vst v0  }
0x1f5: {  	v0 =	vld.idx.msk [tilespmem:v48+s17+$0x0], $0xffff  }
0x1f6: {  	v49 =	vld [tilespmem:$0x142E0];
	_ =	sdelay $0x1  }
0x1f7: {  	v50 =	vld [tilespmem:$0x14480];
	_ =	sdelay $0x2  }
0x1f8: {  	v1 =	vmul.f32 v49, v0;
	_ =	sdelay $0x1  }
0x1f9: {  	v1 =	vadd.f32 v50, v1;
	_ =	sdelay $0x1  }
0x1fa: {  	[tilespmem:s24+$0x50] =	vst v1  }
0x1fb: {  	v1 =	vld [tilespmem:$0x142F0];
	_ =	sdelay $0x1  }
0x1fc: {  	v51 =	vld [tilespmem:$0x14490];
	_ =	sdelay $0x1  }
0x1fd: {  	s31 =	sadd.s32 $0xFFFFFFFE, s25  }
0x1fe: {  	v52 =	vmov s31;
	v0 =	vmul.f32 v1, v0;
	_ =	sdelay $0x1  }
0x1ff: {  	v0 =	vadd.f32 v51, v0;
	_ =	sdelay $0x1  }
0x200: {  	[tilespmem:s24+$0x60] =	vst v0  }
0x201: {  	v0 =	vld.idx.msk [tilespmem:v52+s17+$0x0], $0xffff  }
0x202: {  	v53 =	vld [tilespmem:$0x14300];
	_ =	sdelay $0x1  }
0x203: {  	v54 =	vld [tilespmem:$0x144A0];
	_ =	sdelay $0x2  }
0x204: {  	v1 =	vmul.f32 v53, v0;
	_ =	sdelay $0x1  }
0x205: {  	v1 =	vadd.f32 v54, v1;
	_ =	sdelay $0x1  }
0x206: {  	[tilespmem:s24+$0x70] =	vst v1  }
0x207: {  	v1 =	vld [tilespmem:$0x14310];
	_ =	sdelay $0x1  }
0x208: {  	v55 =	vld [tilespmem:$0x144B0];
	_ =	sdelay $0x1  }
0x209: {  	s28 =	sadd.s32 $0xFFFFFFFF, s25  }
0x20a: {  	v56 =	vmov s28;
	v0 =	vmul.f32 v1, v0;
	_ =	sdelay $0x1  }
0x20b: {  	v0 =	vadd.f32 v55, v0;
	_ =	sdelay $0x1  }
0x20c: {  	[tilespmem:s24+$0x80] =	vst v0  }
0x20d: {  	v0 =	vld.idx.msk [tilespmem:v56+s17+$0x0], $0xffff  }
0x20e: {  	v57 =	vld [tilespmem:$0x14320];
	_ =	sdelay $0x1  }
0x20f: {  	v58 =	vld [tilespmem:$0x144C0];
	_ =	sdelay $0x2  }
0x210: {  	v1 =	vmul.f32 v57, v0;
	_ =	sdelay $0x1  }
0x211: {  	v1 =	vadd.f32 v58, v1;
	_ =	sdelay $0x1  }
0x212: {  	[tilespmem:s24+$0x90] =	vst v1  }
0x213: {  	v1 =	vld [tilespmem:$0x14330];
	_ =	sdelay $0x1  }
0x214: {  	v59 =	vld [tilespmem:$0x144D0];
	_ =	sdelay $0x2  }
0x215: {  	v60 =	vmov s25;
	v0 =	vmul.f32 v1, v0;
	_ =	sdelay $0x1  }
0x216: {  	v0 =	vadd.f32 v59, v0;
	_ =	sdelay $0x1  }
0x217: {  	[tilespmem:s24+$0xA0] =	vst v0  }
0x218: {  	v0 =	vld.idx.msk [tilespmem:v60+s17+$0x0], $0xffff  }
0x219: {  	v61 =	vld [tilespmem:$0x14340];
	_ =	sdelay $0x1  }
0x21a: {  	v62 =	vld [tilespmem:$0x144E0];
	_ =	sdelay $0x2  }
0x21b: {  	v1 =	vmul.f32 v61, v0;
	_ =	sdelay $0x1  }
0x21c: {  	v1 =	vadd.f32 v62, v1;
	_ =	sdelay $0x1  }
0x21d: {  	[tilespmem:s24+$0xB0] =	vst v1  }
0x21e: {  	v1 =	vld [tilespmem:$0x14350];
	_ =	sdelay $0x1  }
0x21f: {  	v63 =	vld [tilespmem:$0x144F0];
	_ =	sdelay $0x2  }
0x220: {  	v0 =	vmul.f32 v1, v0;
	_ =	sdelay $0x1  }
0x221: {  	v0 =	vadd.f32 v63, v0;
	_ =	sdelay $0x1  }
0x222: {  	[tilespmem:s24+$0xC0] =	vst v0  }
0x223: {  	_ =	swait.ge [sflag:s18], $0xD000  }
0x224: {  	s26 =	simm.s32 $0x9C0;
	[sflag:s18] =	ssyncset.done $0x0  }
0x225: {  	s29 =	simm.s32 $0x680;
	s30 =	sadd.s32 $0x0, s21;
	[sflag:s18] =	ssyncadd.s32 $0xFFFF3000  }
0x226: {  	[hbm4b:s30+s2] =	stream.linear.scatter [tilespmem:s29], [sflag:$0x2], $0x340, $0x38;
	[tilespmem:$0x145D0] =	vst v63  }
0x227: {  	s25 =	simm.s32 $0x9C;
	s31 =	sadd.s32 $0x0, s22;
	s24 =	simm.s32 $0xD680  }
0x228: {  	[hbm4b:s31+s2] =	stream.linear.scatter [tilespmem:s24], [sflag:$0x2], $0x1A0, $0x38;
	[tilespmem:$0x145D0] =	vst v63  }
.LBB2_7:
0x229: {  	s28 =	sadd.s32 s25, s21  }
0x22a: {  	p0 =	sne.s32 s25, $0x2664;
	s29 =	smov.u32 s25;
	s25 =	sadd.s32 $0x9C, s25  }
0x22b: {  	[hbm4b:s28+s2] =	stream.linear.scatter [tilespmem:s26], [sflag:$0x2], $0x340, $0x38;
	[tilespmem:$0x145D0] =	vst v63  }
.Ltmp2:
0x22c: {  	_ = 	snop;
	(pc) =	sbr.rel @p0 .LBB2_7-.Ltmp2, $4  }
0x22d: {  	s24 =	sadd.s32 $0x1A0, s24;
	s28 =	sadd.s32 s29, s22  }
0x22e: {  	[hbm4b:s28+s2] =	stream.linear.scatter [tilespmem:s24], [sflag:$0x2], $0x1A0, $0x38;
	[tilespmem:$0x145D0] =	vst v63  }
0x22f: {  	_ = 	snop  }
0x230: {  	s26 =	sadd.s32 $0x340, s26  }
0x231: {  	s23 =	sadd.s32 $0x1, s23  }
0x232: {  	_ =	swait.ge [sflag:s19], $0xD000;
	p0 =	sne.s32 s23, $0x8  }
.Ltmp3:
0x233: {  	[sflag:s19] =	ssyncset.done $0x0;
	(pc) =	sbr.rel @p0 .LBB2_2-.Ltmp3, $4  }
0x234: {  	[sflag:s19] =	ssyncadd.s32 $0xFFFF3000  }
0x235: {  	_ =	swait.ge [sflag:s19], $0x6800  }
0x236: {  	[sflag:s19] =	ssyncset.done $0x0  }
0x237: {  	s22 =	sadd.s32 $0x2700, s22;
	s21 =	sadd.s32 $0x2700, s21;
	[sflag:s19] =	ssyncadd.s32 $0xFFFF9800  }
0x238: {  	s20 =	sadd.s32 $0x1, s20  }
0x239: {  	p0 =	sne.s32 s20, s10  }
.Ltmp4:
0x23a: {  	_ = 	snop;
	(pc) =	sbr.rel @p0 .LBB2_1-.Ltmp4, $1  }
0x23b: {  	_ =	sdelay $0x3  }
0x23c: {  	_ =	sfence.sel $0x180000  }
0x23d: {  	[bflag:$0x0] =	sbarrier.arrive $0xFFFF  }
0x23e: {  	p0 =	sne.s32 s1, $0x0;
	_ =	strace $0x90000047  }
0x23f: {  	s0 =	sadd.s32 @!p0 $0x100000, s0;
	[bflag:$0x2] =	sbarrier.arrive $0xFFFF  }
0x240: {  	[sflag:s0] =	ssyncadd.tile.s32 @!p0 $0x1;
	_ =	shalt  }
.Lfunc_end2:
_tile_overlayer_lowered:
.L_overlay_start_2:
0x241: {  	(tag) =	ssettag $0x2  }
0x242: {  	s0 =	rddreg [dreg:$0x0];
	s2 =	stileid.u32  }
0x243: {  	s1 =	rddreg [dreg:$0x1];
	p0 =	sne.s32 s2, $0x0  }
0x244: {  	s3 =	rddreg [dreg:$0x2];
	[bflag:$0x3] =	sbarrier.arrive $0xFFFF;
	s2 =	simm.s32 @!p0 $0x1C03  }
0x245: {  	[timem:s3], [sflag:s2] =	dma.local @!p0 [hbm:s0], s1  }
0x246: {  	s0 =	simm.s32 @!p0 $0x3  }
0x247: {  	_ =	swait.ge @!p0 [sflag:s0], s1  }
0x248: {  	s1 =	ssub.s32 @!p0 $0x0, s1;
	[sflag:s0] =	ssyncset.done @!p0 $0x0  }
0x249: {  	[sflag:s0] =	ssyncadd.s32 @!p0 s1  }
0x24a: {  	[bflag:$0x3] =	sbarrier.arrive $0xFFFF  }
0x24b: {  	_ =	shalt  }

// kernel: sparse-core-data-format-call.cloned.1.call-start
scs
called_computation_lowered:
.L_overlay_start_0:
0x0: {  	s2 =	sld [smem:$0x3FD9]  }
0x1: {  	s3 =	sld [smem:$0x3FFE];
	_ =	sdelay $0x1  }
0x2: {  	s1 =	srdreg.scid  }
0x3: {  	s0 =	sand.u32 $0x1, s1  }
0x4: {  	s18 =	sshll.u32 s0, $0xA;
	s2 =	sadd.s32 s3, s2  }
0x5: {  	s2 =	sadd.s32 s2, s18  }
0x6: {  	[smem:$0x3FC3] =	sst s2  }
0x7: {  	_ = 	snop  }
0x8: {  	s2 =	sld [smem:$0x3FD0];
	(tm) =	ssettm $0x1  }
0x9: {  	s19 =	sld [smem:$0x3FFB];
	_ =	sdelay $0x3  }
0xa: {  	_ =	strace s19  }
0xb: {  	s3 =	sld [smem:$0x3FFC];
	_ =	sdelay $0x3  }
0xc: {  	_ =	strace s3  }
0xd: {  	s3 =	sld [smem:$0x3FFD];
	_ =	sdelay $0x3  }
0xe: {  	_ =	strace s3  }
0xf: {  	_ =	strace $0x8FFFFFFF  }
0x10: {  	s20 =	sld [smem:$0x3FDB];
	_ =	sdelay $0x1  }
0x11: {  	s4 =	simm.s32 $_scs_section_size  }
0x12: {  	s5 =	simm.s32 $_size__tile_overlayer_lowered;
	s6 =	simm.s32 $_tile_overlayer_lowered  }
0x13: {  	s23 =	simm.s32 $0x1BFF;
	s22 =	sshll.u32 s6, $0x1;
	s3 =	sadd.s32 s4, s20  }
0x14: {  	s7 =	simm.s32 $0x0;
	s21 =	sshll.u32 s5, $0x1;
	s5 =	sadd.s32 s22, s3  }
0x15: {  	[timem:s7], [sflag:s23] =	dma.local [hbm:s5], s21  }
0x16: {  	_ =	swait.ge [sflag:s23], s21  }
0x17: {  	s4 =	ssub.s32 $0x0, s21;
	[sflag:s23] =	ssyncset.done $0x0  }
0x18: {  	[sflag:s23] =	ssyncadd.s32 s4;
	_ =	sdelay $0x1  }
0x19: {  	s24 =	simm.s32 $0x1B8B  }
0x1a: {  	_ =	swait.ge [sflag:s24], $0x1  }
0x1b: {  	[sflag:s24] =	ssyncset.done $0x0  }
0x1c: {  	s26 =	simm.s32 $0x1B8E;
	s25 =	sld [smem:$0x3FFE];
	[sflag:s24] =	ssyncadd.s32 $0xFFFFFFFF  }
0x1d: {  	s27 =	simm.s32 $execute0_lowered;
	[smem:$0x3FD2] =	sst s26  }
0x1e: {  	s5 =	sshll.u32 s27, $0x1;
	_ =	strace $0x80000049;
	[dreg:$0x1] =	wrdreg $0xFFFFFFFF  }
0x1f: {  	s28 =	simm.s32 $_size_execute0_lowered;
	s3 =	sadd.s32 s3, s5;
	[dreg:$0x0] =	wrdreg $0x0  }
0x20: {  	s5 =	sshll.u32 s28, $0x1;
	[dreg:$0x2] =	wrdreg s3  }
0x21: {  	[dreg:$0x3] =	wrdreg s5  }
0x22: {  	[dreg:$0x4] =	wrdreg $0xC0  }
0x23: {  	_ =	task [dreg:s7], $0x5FFFF  }
0x24: {  	[dreg:$0x1] =	wrdreg $0xFFFFFFFF  }
0x25: {  	[dreg:$0x0] =	wrdreg $0x60  }
0x26: {  	[dreg:$0x2] =	wrdreg s25  }
0x27: {  	[dreg:$0x3] =	wrdreg s2  }
0x28: {  	[dreg:$0x4] =	wrdreg $0x9  }
0x29: {  	_ =	task.clear_ibuf [dreg:s7], $0x5FFFF;
	_ =	strace $0x90000049  }
0x2a: {  	s29 =	simm.s32 $0x9;
	_ =	strace $0x8000004B  }
0x2b: {  	_ =	swait.ge [sflag:s29], $0x1  }
0x2c: {  	[sflag:s29] =	ssyncadd.s32 $0xFFFFFFFF  }
0x2d: {  	_ =	strace $0x9000004B  }
0x2e: {  	_ =	sfence  }
0x2f: {  	s30 =	sld [smem:$0x0];
	_ =	sdelay $0x2  }
0x30: {  	s31 =	sshll.u32 s1, $0xD;
	s1 =	sshrl.u32 s1, $0x2  }
0x31: {  	s3 =	sand.u32 $0x4000, s31;
	s1 =	sadd.s32 s1, s30  }
0x32: {  	s0 =	sor.u32 s3, s0;
	s1 =	sshll.u32 s1, $0x11  }
0x33: {  	s0 =	sor.u32 s1, s0  }
0x34: {  	s0 =	sadd.s32 $0x8F2B, s0  }
0x35: {  	[sflag:s0] =	ssyncadd.remote.s32 $0x1  }
0x36: {  	_ =	sfence.sel $0xFFFF  }
0x37: {  	[dreg:$0x0] =	wrdreg $0xFFFFFFFF;
	(pc) =	sbr.abs _section_cstart, $3  }
0x38: {  	[dreg:$0x1] =	wrdreg $0xFFFFFFFF  }
0x39: {  	_ =	task.clear_ibuf [dreg:s7], $0x2FFFF;
	_ =	strace $0x9FFFFFFF  }
0x3a: {  	(tm) =	ssettm $0x7FFFFFFF  }
0x3b: {  	_ =	shalt  }
tec
execute0_lowered:
.L_overlay_start_1:
0x0: {  	(tag) =	ssettag $0x1  }
0x1: {  	s0 =	srdreg.scid  }
0x2: {  	s1 =	sshll.u32 s0, $0x4  }
0x3: {  	s0 =	stileid.u32;
	s1 =	sand.u32 $0x10, s1  }
0x4: {  	s1 =	sor.u32 s0, s1  }
0x5: {  	s6 =	rddreg [dreg:$0x0];
	s4 =	simm.s32 $0x1;
	s2 =	sshll.u32 s1, $0x7  }
0x6: {  	s7 =	simm.s32 $0x2;
	s12 =	simm.s32 $0x0;
	s1 =	ssub.s32 $0x4000, s2  }
0x7: {  	s8 =	simm.s32 $0x20000;
	s13 =	simm.s32 $0x0;
	s3 =	sand.u32 $0xF80, s1  }
0x8: {  	s9 =	simm.s32 $0x0;
	s5 =	sshrl.u32 s1, $0xC;
	p0 =	sne.s32 s3, $0x0  }
.Ltmp0:
0x9: {  	s1 =	rddreg [dreg:$0x2];
	s4 =	simm.s32 @!p0 $0x0;
	(pc) =	sbr.rel .LBB1_1-.Ltmp0, $4  }
0xa: {  	s11 =	simm.s32 $0x0;
	s3 =	rddreg [dreg:$0x1];
	s5 =	sadd.s32 s4, s5  }
0xb: {  	_ =	strace $0x8000004A;
	s4 =	simm.s32 $0x1;
	s5 =	smul.u32 $0x27, s5  }
0xc: {  	s6 =	sadd.s32 $0x1200, s6;
	s10 =	smov.u32 s2;
	[sflag:s4] =	ssyncpa.u1 $0x0  }
0xd: {  	p0 =	por $0x0, $0x0;
	[sflag:s7] =	ssyncpa.u1 $0x0;
	s7 =	sadd.s32 $0x1, s5  }
.LBB1_4:
0xe: {  	s16 =	sshll.u32 s13, $0x3;
	s17 =	sand.u32 $0x78, s13  }
0xf: {  	s30 =	sand.u32 $0xF800, s13;
	s12 =	sshll.u32 s12, $0x10;
	s16 =	sand.u32 $0x3C00, s16  }
0x10: {  	s31 =	sand.u32 $0x7, s13;
	s16 =	sor.u32 s17, s16;
	s17 =	sadd.s32 s3, s30  }
0x11: {  	s13 =	sshll.u32 s31, $0x12;
	s16 =	sshrl.u32 s16, $0x3;
	s12 =	sadd.s32 s12, s17  }
0x12: {  	[tilespmem:s15+$0x0 ss:$0x81] =	vst.msk $0xffff, v0;
	s13 =	sor.u32 $0x400, s13;
	s12 =	sadd.s32 s16, s12  }
0x13: {  	[hbm4b:s12+s13] =	stream.strided.scatter [tilespmem:s14], [sflag:$0x2], $0x1000, s8, s13, $0x20;
	[tilespmem:$0x4040] =	vst v63  }
.LBB1_5:
0x14: {  	s14 =	sadd.s32 $0x1, s9  }
0x15: {  	s12 =	sadd.s32 $0x1000, s10;
	s16 =	smov.u32 s10;
	p2 =	sgt.s32 s14, $0x26  }
0x16: {  	s16 =	smov.u32 @p2 s12  }
0x17: {  	s14 =	simm.s32 @p2 $0x0;
	p2 =	sgt.s32 s16, $0x3FFF  }
0x18: {  	s16 =	smov.u32 @p2 s2;
	p2 =	sne.s32 s11, s7  }
.Ltmp1:
0x19: {  	p1 =	slt.u32 s11, $0x2;
	(pc) =	sbr.rel @!p2 .LBB1_6-.Ltmp1, $4  }
0x1a: {  	s15 =	simm.s32 @!p1 $0x2  }
0x1b: {  	s13 =	smov.u32 s10;
	p0 =	por !p0, !p0;
	_ =	swait.ge @!p1 [sflag:s15], $0x1000  }
0x1c: {  	s12 =	smov.u32 s9;
	[sflag:s15] =	ssyncset.done @!p1 $0x0;
	s9 =	smov.u32 s14  }
0x1d: {  	s11 =	sadd.s32 $0x1, s11;
	[sflag:s15] =	ssyncadd.s32 @!p1 $0xFFFFF000;
	s10 =	smov.u32 s16  }
.LBB1_1:
0x1e: {  	p1 =	sge.u32 s11, s5  }
0x1f: {  	s14 =	sand.u32 @!p1 $0x1FFFFFF, s9  }
0x20: {  	s15 =	smulhi.u32 @!p1 $0x6666667, s14;
	_ =	sdelay $0x1  }
0x21: {  	s15 =	smul.u32 @!p1 $0x28, s15  }
0x22: {  	s16 =	sxor.u32 @!p1 $0xFFFFFFFF, s11;
	s17 =	smul.u32 @!p1 $0x280, s10  }
0x23: {  	s31 =	sadd.s32 $0xFFFFFFFF, s11;
	s16 =	sshll.u32 @!p1 s16, $0xC;
	s14 =	ssub.s32 @!p1 s14, s15  }
0x24: {  	s15 =	sand.u32 @!p1 $0x1000, s16;
	s16 =	sadd.s32 @!p1 s6, s17;
	s14 =	sshll.u32 @!p1 s14, $0x4  }
0x25: {  	s17 =	simm.s32 @!p1 $0x1400;
	s14 =	sadd.s32 @!p1 s14, s16;
	s16 =	simm.s32 @!p1 $0x20  }
0x26: {  	[tilespmem:s15], [sflag:$0x1] =	stream.strided.gather @!p1 [hbm4b:s14+s16], $0x1000, s17, s16, $0x38;
	[tilespmem:$0x4040] =	vst v63  }
0x27: {  	p1 =	sge.u32 s31, s5  }
.Ltmp2:
0x28: {  	_ = 	snop;
	(pc) =	sbr.rel @p1 .LBB1_5-.Ltmp2, $1  }
0x29: {  	_ =	sdelay $0x3  }
0x2a: {  	s14 =	simm.s32 $0x1  }
0x2b: {  	_ =	swait.ge [sflag:s4], $0x1000;
	s14 =	simm.s32 @!p0 $0x0  }
0x2c: {  	[sflag:s4] =	ssyncset.done $0x0;
	s15 =	sshll.u32 s14, $0xC  }
0x2d: {  	[sflag:s4] =	ssyncadd.s32 $0xFFFFF000;
	s18 =	sor.u32 $0x10, s15  }
0x2e: {  	s14 =	smul.u32 $0x4080, s14;
	v1 =	vld [tilespmem:s18+$0x0]  }
0x2f: {  	s30 =	sand.u32 $0x1, s11;
	v0 =	vld [tilespmem:s18+$0xFFFFFFF0]  }
0x30: {  	s15 =	smul.u32 $0x4080, s30;
	s14 =	sshrl.u32 s14, $0x2  }
0x31: {  	s16 =	sor.u32 $0x2000, s14  }
0x32: {  	s31 =	sshrl.u32 s15, $0x2;
	s15 =	sadd.s32 $0x0, s16  }
0x33: {  	s17 =	simm.s32 $0x4;
	s18 =	sadd.s32 $0x20, s18;
	s14 =	sor.u32 $0x2000, s31;
	[tilespmem:s15+$0x810 ss:$0x81] =	vst.msk $0xffff, v1  }
.LBB1_3:
0x34: {  	v1 =	vld [tilespmem:s18+$0x0];
	p1 =	sne.s32 s17, $0x1FC;
	[tilespmem:s15+$0x0 ss:$0x81] =	vst.msk $0xffff, v0;
	s15 =	smov.u32 s17;
	s17 =	sadd.s32 $0x4, s17  }
.Ltmp3:
0x35: {  	v0 =	vld [tilespmem:s18+$0xFFFFFFF0];
	(pc) =	sbr.rel @p1 .LBB1_3-.Ltmp3, $4  }
0x36: {  	_ = 	snop  }
0x37: {  	s15 =	sshra.s32 s15, $0x2  }
0x38: {  	s15 =	sadd.s32 s15, s16  }
0x39: {  	s18 =	sadd.s32 $0x20, s18;
	[tilespmem:s15+$0x810 ss:$0x81] =	vst.msk $0xffff, v1  }
.Ltmp4:
0x3a: {  	_ = 	snop;
	(pc) =	sbr.rel .LBB1_4-.Ltmp4, $1  }
0x3b: {  	_ =	sdelay $0x3  }
.LBB1_6:
0x3c: {  	_ =	sfence.sel $0x180000  }
0x3d: {  	s2 =	simm.s32 $0x1;
	[bflag:$0x0] =	sbarrier.arrive $0xFFFF  }
0x3e: {  	s31 =	simm.s32 $0x2;
	[sflag:s2] =	ssyncpa.u1 $0x1  }
0x3f: {  	[sflag:s31] =	ssyncpa.u1 $0x1  }
0x40: {  	p0 =	sne.s32 s0, $0x0;
	_ =	strace $0x9000004A  }
0x41: {  	s0 =	sadd.s32 @!p0 $0x100000, s1;
	[bflag:$0x2] =	sbarrier.arrive $0xFFFF  }
0x42: {  	[sflag:s0] =	ssyncadd.tile.s32 @!p0 $0x1;
	_ =	shalt  }
.Lfunc_end1:
_tile_overlayer_lowered:
.L_overlay_start_2:
0x43: {  	(tag) =	ssettag $0x2  }
0x44: {  	s0 =	rddreg [dreg:$0x0];
	s2 =	stileid.u32  }
0x45: {  	s1 =	rddreg [dreg:$0x1];
	p0 =	sne.s32 s2, $0x0  }
0x46: {  	s3 =	rddreg [dreg:$0x2];
	[bflag:$0x3] =	sbarrier.arrive $0xFFFF;
	s2 =	simm.s32 @!p0 $0x1C01  }
0x47: {  	[timem:s3], [sflag:s2] =	dma.local @!p0 [hbm:s0], s1  }
0x48: {  	s0 =	simm.s32 @!p0 $0x1  }
0x49: {  	_ =	swait.ge @!p0 [sflag:s0], s1  }
0x4a: {  	s1 =	ssub.s32 @!p0 $0x0, s1;
	[sflag:s0] =	ssyncset.done @!p0 $0x0  }
0x4b: {  	[sflag:s0] =	ssyncadd.s32 @!p0 s1  }
0x4c: {  	[bflag:$0x3] =	sbarrier.arrive $0xFFFF  }
0x4d: {  	_ =	shalt  }

</sc_bundles>
